<compile_context>
chip_gen: v7x
topology: tpu7x:2x2x1
jax: 0.10.2.dev20260603
libtpu: 0.0.44.dev20260713+nightly
codegen_flags: <defaults>
</compile_context>

<pallas_src>
import functools

import jax
import jax.numpy as jnp
from jax import lax
from jax.experimental import pallas as pl
from jax.experimental.pallas import tpu as pltpu
from jax.experimental.pallas import tpu_sc as plsc

NC = 2
NS = 16
L = 16
NW = NC * NS


def _make_gather(Bb, T, V, D):
    BW = Bb // NW
    TT = T // 8
    NG = BW // L
    HD = D // 2

    mesh = plsc.VectorSubcoreMesh(core_axis_name="c", subcore_axis_name="s")

    @functools.partial(
        pl.kernel,
        mesh=mesh,
        compiler_params=pltpu.CompilerParams(
            needs_layout_passes=False, use_tc_tiling_on_sc=True
        ),
        out_type=jax.ShapeDtypeStruct((D, T, Bb), jnp.float32),
        scratch_types=[
            pltpu.VMEM((V * D,), jnp.float32),
            pltpu.VMEM((8, BW), jnp.int32),
            pltpu.VMEM((8, BW), jnp.int32),
            pltpu.VMEM((HD, 8, BW), jnp.float32),
            pltpu.VMEM((HD, 8, BW), jnp.float32),
            pltpu.VMEM((HD, 8, BW), jnp.float32),
            pltpu.VMEM((HD, 8, BW), jnp.float32),
            pltpu.SemaphoreType.DMA,
            pltpu.SemaphoreType.DMA,
            pltpu.SemaphoreType.DMA,
            pltpu.SemaphoreType.DMA,
            pltpu.SemaphoreType.DMA,
            pltpu.SemaphoreType.DMA,
        ],
    )
    def gather(table_hbm, idx_hbm, out_hbm, tab_v, ix0, ix1, b00, b01, b10,
               b11, s00, s01, s10, s11, is0, is1):
        wid = lax.axis_index("s") * NC + lax.axis_index("c")
        b0 = wid * BW
        pltpu.sync_copy(table_hbm, tab_v)

        ixs = (ix0, ix1)
        isems = (is0, is1)
        bufs = ((b00, b01), (b10, b11))
        sems = ((s00, s01), (s10, s11))

        def idx_src(tt):
            return idx_hbm.at[pl.ds(tt * 8, 8), pl.ds(b0, BW)]

        def dst(h, tt):
            return out_hbm.at[pl.ds(h * HD, HD), pl.ds(tt * 8, 8),
                              pl.ds(b0, BW)]

        pltpu.async_copy(idx_src(0), ix0, is0)
        pltpu.async_copy(idx_src(1), ix1, is1)

        def process(tt, p, guard_wait):
            pltpu.make_async_copy(idx_src(tt), ixs[p], isems[p]).wait()
            for h in range(2):
                buf, sem = bufs[h][p], sems[h][p]

                if guard_wait:
                    @pl.when(tt >= 2)
                    def _wait():
                        pltpu.make_async_copy(buf, dst(h, tt - 2), sem).wait()
                else:
                    pltpu.make_async_copy(buf, dst(h, tt - 2), sem).wait()

                @plsc.parallel_loop(0, 8 * NG, unroll=1)
                def _rg(rg):
                    r = rg >> 3
                    g = rg & (NG - 1)
                    idx16 = ixs[p][r, pl.ds(g * L, L)]
                    base = idx16 * D + (h * HD)

                    @plsc.parallel_loop(0, HD, unroll=25)
                    def _dd(dd):
                        buf[dd, r, pl.ds(g * L, L)] = plsc.load_gather(
                            tab_v, [base + dd]
                        )
                pltpu.async_copy(buf, dst(h, tt), sem)
            if guard_wait:
                @pl.when(tt + 2 < TT)
                def _prefetch():
                    pltpu.async_copy(idx_src(tt + 2), ixs[p], isems[p])

        def tt_body(k, _):
            process(2 * k, 0, True)
            process(2 * k + 1, 1, True)
            return 0

        lax.fori_loop(0, TT // 2, tt_body, 0)
        process(TT - 1, 0, False)
        for h in range(2):
            pltpu.make_async_copy(bufs[h][1], dst(h, TT - 2), sems[h][1]).wait()
            pltpu.make_async_copy(bufs[h][0], dst(h, TT - 1), sems[h][0]).wait()

    return gather


def kernel(indices, table):
    Bb, T = indices.shape
    V, D = table.shape
    idx_t = jnp.transpose(indices)
    out_t = _make_gather(Bb, T, V, D)(table.reshape(V * D), idx_t)
    return jnp.transpose(out_t, (2, 1, 0))

# --- scband reference (transcript-rebuilt; emitter-appended) ---
"""Pipeline reference for scband-embedding-module-i32-static-86492051407044 (READ-ONLY COPY).

The authoritative reference and input builder live on the scoring server;
editing this copy changes nothing except your own understanding.
"""

import jax, jax.numpy as jnp
import numpy as np

NUM_EMBEDDINGS = 100
EMBED_DIM = 50
PADDING_IDX = 4
BATCH = 4096
HIST_LEN = 200


def setup_inputs(seed: int = 0) -> dict:
    key = jax.random.key(seed)
    k_idx, k_tab = jax.random.split(key)
    indices = jax.random.randint(k_idx, (BATCH, HIST_LEN), 0, NUM_EMBEDDINGS, dtype=jnp.int32)
    table = jax.random.normal(k_tab, (NUM_EMBEDDINGS, EMBED_DIM), dtype=jnp.float32)
    # torch.nn.Embedding with padding_idx zero-initializes that row
    table = table.at[PADDING_IDX].set(0.0)
    return {"indices": indices, "table": table}


def reference(indices, table):
    # Faithful translation of torch.nn.Embedding.forward: gather rows of the table
    return jnp.take(table, indices, axis=0)

if __name__ == "__main__":
    import jax
    _d = setup_inputs()
    print(jax.jit(kernel)(*tuple(_d.values())))

</pallas_src>

<mosaic_0001>
#map = affine_map<(d0, d1) -> (0)>
#map1 = affine_map<(d0, d1) -> (0, 0)>
#map2 = affine_map<(d0, d1) -> (0, 0, 0)>
module attributes {stable_mosaic.version = 14 : i64} {
  func.func @gather(%arg0: i32, %arg1: i32, %arg2: memref<5000xf32, #tpu.memory_space<hbm>>, %arg3: memref<200x4096xi32, #tpu.memory_space<hbm>>, %arg4: memref<50x200x4096xf32, #tpu.memory_space<hbm>>, %arg5: memref<5000xf32, #tpu.memory_space<vmem>>, %arg6: memref<8x128xi32, #tpu.memory_space<vmem>>, %arg7: memref<8x128xi32, #tpu.memory_space<vmem>>, %arg8: memref<25x8x128xf32, #tpu.memory_space<vmem>>, %arg9: memref<25x8x128xf32, #tpu.memory_space<vmem>>, %arg10: memref<25x8x128xf32, #tpu.memory_space<vmem>>, %arg11: memref<25x8x128xf32, #tpu.memory_space<vmem>>, %arg12: memref<!tpu.dma_semaphore, #tpu.memory_space<semaphore_mem>>, %arg13: memref<!tpu.dma_semaphore, #tpu.memory_space<semaphore_mem>>, %arg14: memref<!tpu.dma_semaphore, #tpu.memory_space<semaphore_mem>>, %arg15: memref<!tpu.dma_semaphore, #tpu.memory_space<semaphore_mem>>, %arg16: memref<!tpu.dma_semaphore, #tpu.memory_space<semaphore_mem>>, %arg17: memref<!tpu.dma_semaphore, #tpu.memory_space<semaphore_mem>>) attributes {dimension_semantics = [#tpu.dimension_semantics<core_parallel>, #tpu.dimension_semantics<subcore_parallel>], iteration_bounds = array<i64: 2, 16>, scalar_prefetch = 0 : i64, scratch_operands = 13 : i64, tpu.core_type = #tpu.core_type<sc_vector_subcore>, window_params = [{transform_indices = #map}, {transform_indices = #map1}, {transform_indices = #map2}]} {
    %mul3A = arith.constant 2 : i32
    %mul3A_0 = arith.muli %arg1, %mul3A : i32
    %add3A = arith.addi %mul3A_0, %arg0 : i32
    %mul3A_1 = arith.constant 128 : i32
    %mul3A_2 = arith.muli %add3A, %mul3A_1 : i32
    "tpu.region"() ({
      %run_scoped3A = tpu.sem_alloc : memref<!tpu.dma_semaphore, #tpu.memory_space<semaphore_mem>>
      tpu.enqueue_dma source(%arg2 : memref<5000xf32, #tpu.memory_space<hbm>>) target(%arg5 : memref<5000xf32, #tpu.memory_space<vmem>>) target_semaphore(%run_scoped3A : memref<!tpu.dma_semaphore, #tpu.memory_space<semaphore_mem>>)
      tpu.wait_dma2 semaphore(%run_scoped3A : memref<!tpu.dma_semaphore, #tpu.memory_space<semaphore_mem>>) src(%arg2 : memref<5000xf32, #tpu.memory_space<hbm>>) dst(%arg5 : memref<5000xf32, #tpu.memory_space<vmem>>)
      tpu.yield
    }) : () -> ()
    %dma_start3A = arith.constant 0 : i32
    %dma_start3A_3 = tpu.memref_slice %arg3[%dma_start3A, %mul3A_2] : memref<200x4096xi32, #tpu.memory_space<hbm>> -> memref<8x128xi32, #tpu.memory_space<hbm>>
    %dma_start3A_4 = arith.constant 0 : i32
    %dma_start3A_5 = tpu.memref_slice %arg3[%dma_start3A_4, %mul3A_2] : memref<200x4096xi32, #tpu.memory_space<hbm>> -> memref<8x128xi32, #tpu.memory_space<hbm>>
    tpu.enqueue_dma source(%dma_start3A_5 : memref<8x128xi32, #tpu.memory_space<hbm>>) target(%arg6 : memref<8x128xi32, #tpu.memory_space<vmem>>) target_semaphore(%arg16 : memref<!tpu.dma_semaphore, #tpu.memory_space<semaphore_mem>>)
    %dma_start3A_6 = arith.constant 8 : i32
    %dma_start3A_7 = tpu.memref_slice %arg3[%dma_start3A_6, %mul3A_2] : memref<200x4096xi32, #tpu.memory_space<hbm>> -> memref<8x128xi32, #tpu.memory_space<hbm>>
    %dma_start3A_8 = arith.constant 8 : i32
    %dma_start3A_9 = tpu.memref_slice %arg3[%dma_start3A_8, %mul3A_2] : memref<200x4096xi32, #tpu.memory_space<hbm>> -> memref<8x128xi32, #tpu.memory_space<hbm>>
    tpu.enqueue_dma source(%dma_start3A_9 : memref<8x128xi32, #tpu.memory_space<hbm>>) target(%arg7 : memref<8x128xi32, #tpu.memory_space<vmem>>) target_semaphore(%arg17 : memref<!tpu.dma_semaphore, #tpu.memory_space<semaphore_mem>>)
    %scan3A = arith.constant 0 : i32
    %scan3A_10 = arith.constant 0 : i32
    %scan3A_11 = arith.constant 12 : i32
    %scan3A_12 = arith.addi %scan3A_10, %scan3A_11 : i32
    %scan3A_13 = arith.constant 1 : i32
    %scan3A_14 = scf.for %scan3A_72 = %scan3A_10 to %scan3A_12 step %scan3A_13 iter_args(%scan3A_73 = %scan3A) -> (i32)  : i32 {
      %mul3A_74 = arith.constant 2 : i32
      %mul3A_75 = arith.muli %mul3A_74, %scan3A_72 : i32
      %mul3A_76 = arith.constant 8 : i32
      %mul3A_77 = arith.muli %mul3A_75, %mul3A_76 : i32
      %dma_wait3A_78 = tpu.memref_slice %arg3[%mul3A_77, %mul3A_2] : memref<200x4096xi32, #tpu.memory_space<hbm>> -> memref<8x128xi32, #tpu.memory_space<hbm>>
      %dma_wait3A_79 = tpu.memref_slice %arg3[%mul3A_77, %mul3A_2] : memref<200x4096xi32, #tpu.memory_space<hbm>> -> memref<8x128xi32, #tpu.memory_space<hbm>>
      tpu.wait_dma2 semaphore(%arg16 : memref<!tpu.dma_semaphore, #tpu.memory_space<semaphore_mem>>) src(%dma_wait3A_79 : memref<8x128xi32, #tpu.memory_space<hbm>>) dst(%arg6 : memref<8x128xi32, #tpu.memory_space<vmem>>)
      %ge3A = arith.constant 2 : i32
      %ge3A_80 = arith.cmpi sge, %mul3A_75, %ge3A : i32
      %convert_element_type3A = arith.extui %ge3A_80 : i1 to i32
      %cond3A = arith.constant 0 : i32
      %cond3A_81 = arith.cmpi ne, %convert_element_type3A, %cond3A : i32
      scf.if %cond3A_81 {
        %sub3A = arith.constant 2 : i32
        %sub3A_155 = arith.subi %mul3A_75, %sub3A : i32
        %mul3A_156 = arith.constant 8 : i32
        %mul3A_157 = arith.muli %sub3A_155, %mul3A_156 : i32
        %dma_wait3A_158 = arith.constant 0 : i32
        %dma_wait3A_159 = tpu.memref_slice %arg4[%dma_wait3A_158, %mul3A_157, %mul3A_2] : memref<50x200x4096xf32, #tpu.memory_space<hbm>> -> memref<25x8x128xf32, #tpu.memory_space<hbm>>
        %dma_wait3A_160 = arith.constant 0 : i32
        %dma_wait3A_161 = tpu.memref_slice %arg4[%dma_wait3A_160, %mul3A_157, %mul3A_2] : memref<50x200x4096xf32, #tpu.memory_space<hbm>> -> memref<25x8x128xf32, #tpu.memory_space<hbm>>
        tpu.wait_dma2 semaphore(%arg12 : memref<!tpu.dma_semaphore, #tpu.memory_space<semaphore_mem>>) src(%arg8 : memref<25x8x128xf32, #tpu.memory_space<vmem>>) dst(%dma_wait3A_161 : memref<25x8x128xf32, #tpu.memory_space<hbm>>)
      } else {
      }
      %parallel_loop3A_82 = arith.constant 0 : i32
      %parallel_loop3A_83 = arith.constant 64 : i32
      %parallel_loop3A_84 = arith.constant 1 : i32
      scf.for %parallel_loop3A_155 = %parallel_loop3A_82 to %parallel_loop3A_83 step %parallel_loop3A_84  : i32 {
        %parallel_loop3A_156 = arith.constant 3 : i32
        %parallel_loop3A_157 = arith.shrsi %parallel_loop3A_155, %parallel_loop3A_156 : i32
        %parallel_loop3A_158 = arith.constant 7 : i32
        %parallel_loop3A_159 = arith.andi %parallel_loop3A_155, %parallel_loop3A_158 : i32
        %parallel_loop3A_160 = arith.constant 16 : i32
        %parallel_loop3A_161 = arith.muli %parallel_loop3A_159, %parallel_loop3A_160 : i32
        %parallel_loop3A_162 = arith.index_cast %parallel_loop3A_157 : i32 to index
        %parallel_loop3A_163 = arith.index_cast %parallel_loop3A_161 : i32 to index
        %parallel_loop3A_164 = tpu.vector_load %arg6[%parallel_loop3A_162, %parallel_loop3A_163] {strides = array<i32>} : memref<8x128xi32, #tpu.memory_space<vmem>>, vector<16xi32>,
        %parallel_loop3A_165 = arith.constant 50 : i32
        %parallel_loop3A_166 = vector.broadcast %parallel_loop3A_165 : i32 to vector<16xi32>
        %parallel_loop3A_167 = arith.muli %parallel_loop3A_164, %parallel_loop3A_166 : vector<16xi32>
        %parallel_loop3A_168 = arith.constant 0 : i32
        %parallel_loop3A_169 = vector.broadcast %parallel_loop3A_168 : i32 to vector<16xi32>
        %parallel_loop3A_170 = arith.addi %parallel_loop3A_167, %parallel_loop3A_169 : vector<16xi32>
        %parallel_loop3A_171 = arith.constant 0 : i32
        %parallel_loop3A_172 = arith.constant 25 : i32
        %parallel_loop3A_173 = arith.constant 1 : i32
        scf.for %parallel_loop3A_174 = %parallel_loop3A_171 to %parallel_loop3A_172 step %parallel_loop3A_173  : i32 {
          %parallel_loop3A_175 = vector.broadcast %parallel_loop3A_174 : i32 to vector<16xi32>
          %parallel_loop3A_176 = arith.addi %parallel_loop3A_170, %parallel_loop3A_175 : vector<16xi32>
          %parallel_loop3A_177 = tpu.vector_load_idx %arg5[%parallel_loop3A_176] : memref<5000xf32, #tpu.memory_space<vmem>>[vector<16xi32>], vector<16xf32>,
          %parallel_loop3A_178 = arith.constant 16 : i32
          %parallel_loop3A_179 = arith.muli %parallel_loop3A_159, %parallel_loop3A_178 : i32
          %parallel_loop3A_180 = arith.index_cast %parallel_loop3A_174 : i32 to index
          %parallel_loop3A_181 = arith.index_cast %parallel_loop3A_157 : i32 to index
          %parallel_loop3A_182 = arith.index_cast %parallel_loop3A_179 : i32 to index
          %parallel_loop3A_183 = tpu.vector_load %arg8[%parallel_loop3A_180, %parallel_loop3A_181, %parallel_loop3A_182] {strides = array<i32>} : memref<25x8x128xf32, #tpu.memory_space<vmem>>, vector<16xf32>,
          tpu.vector_store %arg8[%parallel_loop3A_180, %parallel_loop3A_181, %parallel_loop3A_182], %parallel_loop3A_177 {strides = array<i32>} : memref<25x8x128xf32, #tpu.memory_space<vmem>>, vector<16xf32>,
        } {sc.loop_unroll_factor = 25 : i64, sc.parallel_access}
      } {sc.loop_unroll_factor = 1 : i64, sc.parallel_access}
      %mul3A_85 = arith.constant 8 : i32
      %mul3A_86 = arith.muli %mul3A_75, %mul3A_85 : i32
      %dma_start3A_87 = arith.constant 0 : i32
      %dma_start3A_88 = tpu.memref_slice %arg4[%dma_start3A_87, %mul3A_86, %mul3A_2] : memref<50x200x4096xf32, #tpu.memory_space<hbm>> -> memref<25x8x128xf32, #tpu.memory_space<hbm>>
      %dma_start3A_89 = arith.constant 0 : i32
      %dma_start3A_90 = tpu.memref_slice %arg4[%dma_start3A_89, %mul3A_86, %mul3A_2] : memref<50x200x4096xf32, #tpu.memory_space<hbm>> -> memref<25x8x128xf32, #tpu.memory_space<hbm>>
      tpu.enqueue_dma source(%arg8 : memref<25x8x128xf32, #tpu.memory_space<vmem>>) target(%dma_start3A_90 : memref<25x8x128xf32, #tpu.memory_space<hbm>>) target_semaphore(%arg12 : memref<!tpu.dma_semaphore, #tpu.memory_space<semaphore_mem>>)
      %ge3A_91 = arith.constant 2 : i32
      %ge3A_92 = arith.cmpi sge, %mul3A_75, %ge3A_91 : i32
      %convert_element_type3A_93 = arith.extui %ge3A_92 : i1 to i32
      %cond3A_94 = arith.constant 0 : i32
      %cond3A_95 = arith.cmpi ne, %convert_element_type3A_93, %cond3A_94 : i32
      scf.if %cond3A_95 {
        %sub3A = arith.constant 2 : i32
        %sub3A_155 = arith.subi %mul3A_75, %sub3A : i32
        %mul3A_156 = arith.constant 8 : i32
        %mul3A_157 = arith.muli %sub3A_155, %mul3A_156 : i32
        %dma_wait3A_158 = arith.constant 25 : i32
        %dma_wait3A_159 = tpu.memref_slice %arg4[%dma_wait3A_158, %mul3A_157, %mul3A_2] : memref<50x200x4096xf32, #tpu.memory_space<hbm>> -> memref<25x8x128xf32, #tpu.memory_space<hbm>>
        %dma_wait3A_160 = arith.constant 25 : i32
        %dma_wait3A_161 = tpu.memref_slice %arg4[%dma_wait3A_160, %mul3A_157, %mul3A_2] : memref<50x200x4096xf32, #tpu.memory_space<hbm>> -> memref<25x8x128xf32, #tpu.memory_space<hbm>>
        tpu.wait_dma2 semaphore(%arg14 : memref<!tpu.dma_semaphore, #tpu.memory_space<semaphore_mem>>) src(%arg10 : memref<25x8x128xf32, #tpu.memory_space<vmem>>) dst(%dma_wait3A_161 : memref<25x8x128xf32, #tpu.memory_space<hbm>>)
      } else {
      }
      %parallel_loop3A_96 = arith.constant 0 : i32
      %parallel_loop3A_97 = arith.constant 64 : i32
      %parallel_loop3A_98 = arith.constant 1 : i32
      scf.for %parallel_loop3A_155 = %parallel_loop3A_96 to %parallel_loop3A_97 step %parallel_loop3A_98  : i32 {
        %parallel_loop3A_156 = arith.constant 3 : i32
        %parallel_loop3A_157 = arith.shrsi %parallel_loop3A_155, %parallel_loop3A_156 : i32
        %parallel_loop3A_158 = arith.constant 7 : i32
        %parallel_loop3A_159 = arith.andi %parallel_loop3A_155, %parallel_loop3A_158 : i32
        %parallel_loop3A_160 = arith.constant 16 : i32
        %parallel_loop3A_161 = arith.muli %parallel_loop3A_159, %parallel_loop3A_160 : i32
        %parallel_loop3A_162 = arith.index_cast %parallel_loop3A_157 : i32 to index
        %parallel_loop3A_163 = arith.index_cast %parallel_loop3A_161 : i32 to index
        %parallel_loop3A_164 = tpu.vector_load %arg6[%parallel_loop3A_162, %parallel_loop3A_163] {strides = array<i32>} : memref<8x128xi32, #tpu.memory_space<vmem>>, vector<16xi32>,
        %parallel_loop3A_165 = arith.constant 50 : i32
        %parallel_loop3A_166 = vector.broadcast %parallel_loop3A_165 : i32 to vector<16xi32>
        %parallel_loop3A_167 = arith.muli %parallel_loop3A_164, %parallel_loop3A_166 : vector<16xi32>
        %parallel_loop3A_168 = arith.constant 25 : i32
        %parallel_loop3A_169 = vector.broadcast %parallel_loop3A_168 : i32 to vector<16xi32>
        %parallel_loop3A_170 = arith.addi %parallel_loop3A_167, %parallel_loop3A_169 : vector<16xi32>
        %parallel_loop3A_171 = arith.constant 0 : i32
        %parallel_loop3A_172 = arith.constant 25 : i32
        %parallel_loop3A_173 = arith.constant 1 : i32
        scf.for %parallel_loop3A_174 = %parallel_loop3A_171 to %parallel_loop3A_172 step %parallel_loop3A_173  : i32 {
          %parallel_loop3A_175 = vector.broadcast %parallel_loop3A_174 : i32 to vector<16xi32>
          %parallel_loop3A_176 = arith.addi %parallel_loop3A_170, %parallel_loop3A_175 : vector<16xi32>
          %parallel_loop3A_177 = tpu.vector_load_idx %arg5[%parallel_loop3A_176] : memref<5000xf32, #tpu.memory_space<vmem>>[vector<16xi32>], vector<16xf32>,
          %parallel_loop3A_178 = arith.constant 16 : i32
          %parallel_loop3A_179 = arith.muli %parallel_loop3A_159, %parallel_loop3A_178 : i32
          %parallel_loop3A_180 = arith.index_cast %parallel_loop3A_174 : i32 to index
          %parallel_loop3A_181 = arith.index_cast %parallel_loop3A_157 : i32 to index
          %parallel_loop3A_182 = arith.index_cast %parallel_loop3A_179 : i32 to index
          %parallel_loop3A_183 = tpu.vector_load %arg10[%parallel_loop3A_180, %parallel_loop3A_181, %parallel_loop3A_182] {strides = array<i32>} : memref<25x8x128xf32, #tpu.memory_space<vmem>>, vector<16xf32>,
          tpu.vector_store %arg10[%parallel_loop3A_180, %parallel_loop3A_181, %parallel_loop3A_182], %parallel_loop3A_177 {strides = array<i32>} : memref<25x8x128xf32, #tpu.memory_space<vmem>>, vector<16xf32>,
        } {sc.loop_unroll_factor = 25 : i64, sc.parallel_access}
      } {sc.loop_unroll_factor = 1 : i64, sc.parallel_access}
      %mul3A_99 = arith.constant 8 : i32
      %mul3A_100 = arith.muli %mul3A_75, %mul3A_99 : i32
      %dma_start3A_101 = arith.constant 25 : i32
      %dma_start3A_102 = tpu.memref_slice %arg4[%dma_start3A_101, %mul3A_100, %mul3A_2] : memref<50x200x4096xf32, #tpu.memory_space<hbm>> -> memref<25x8x128xf32, #tpu.memory_space<hbm>>
      %dma_start3A_103 = arith.constant 25 : i32
      %dma_start3A_104 = tpu.memref_slice %arg4[%dma_start3A_103, %mul3A_100, %mul3A_2] : memref<50x200x4096xf32, #tpu.memory_space<hbm>> -> memref<25x8x128xf32, #tpu.memory_space<hbm>>
      tpu.enqueue_dma source(%arg10 : memref<25x8x128xf32, #tpu.memory_space<vmem>>) target(%dma_start3A_104 : memref<25x8x128xf32, #tpu.memory_space<hbm>>) target_semaphore(%arg14 : memref<!tpu.dma_semaphore, #tpu.memory_space<semaphore_mem>>)
      %add3A_105 = arith.constant 2 : i32
      %add3A_106 = arith.addi %mul3A_75, %add3A_105 : i32
      %lt3A = arith.constant 25 : i32
      %lt3A_107 = arith.cmpi slt, %add3A_106, %lt3A : i32
      %convert_element_type3A_108 = arith.extui %lt3A_107 : i1 to i32
      %cond3A_109 = arith.constant 0 : i32
      %cond3A_110 = arith.cmpi ne, %convert_element_type3A_108, %cond3A_109 : i32
      scf.if %cond3A_110 {
        %add3A_155 = arith.constant 2 : i32
        %add3A_156 = arith.addi %mul3A_75, %add3A_155 : i32
        %mul3A_157 = arith.constant 8 : i32
        %mul3A_158 = arith.muli %add3A_156, %mul3A_157 : i32
        %dma_start3A_159 = tpu.memref_slice %arg3[%mul3A_158, %mul3A_2] : memref<200x4096xi32, #tpu.memory_space<hbm>> -> memref<8x128xi32, #tpu.memory_space<hbm>>
        %dma_start3A_160 = tpu.memref_slice %arg3[%mul3A_158, %mul3A_2] : memref<200x4096xi32, #tpu.memory_space<hbm>> -> memref<8x128xi32, #tpu.memory_space<hbm>>
        tpu.enqueue_dma source(%dma_start3A_160 : memref<8x128xi32, #tpu.memory_space<hbm>>) target(%arg6 : memref<8x128xi32, #tpu.memory_space<vmem>>) target_semaphore(%arg16 : memref<!tpu.dma_semaphore, #tpu.memory_space<semaphore_mem>>)
      } else {
      }
      %mul3A_111 = arith.constant 2 : i32
      %mul3A_112 = arith.muli %mul3A_111, %scan3A_72 : i32
      %add3A_113 = arith.constant 1 : i32
      %add3A_114 = arith.addi %mul3A_112, %add3A_113 : i32
      %mul3A_115 = arith.constant 8 : i32
      %mul3A_116 = arith.muli %add3A_114, %mul3A_115 : i32
      %dma_wait3A_117 = tpu.memref_slice %arg3[%mul3A_116, %mul3A_2] : memref<200x4096xi32, #tpu.memory_space<hbm>> -> memref<8x128xi32, #tpu.memory_space<hbm>>
      %dma_wait3A_118 = tpu.memref_slice %arg3[%mul3A_116, %mul3A_2] : memref<200x4096xi32, #tpu.memory_space<hbm>> -> memref<8x128xi32, #tpu.memory_space<hbm>>
      tpu.wait_dma2 semaphore(%arg17 : memref<!tpu.dma_semaphore, #tpu.memory_space<semaphore_mem>>) src(%dma_wait3A_118 : memref<8x128xi32, #tpu.memory_space<hbm>>) dst(%arg7 : memref<8x128xi32, #tpu.memory_space<vmem>>)
      %ge3A_119 = arith.constant 2 : i32
      %ge3A_120 = arith.cmpi sge, %add3A_114, %ge3A_119 : i32
      %convert_element_type3A_121 = arith.extui %ge3A_120 : i1 to i32
      %cond3A_122 = arith.constant 0 : i32
      %cond3A_123 = arith.cmpi ne, %convert_element_type3A_121, %cond3A_122 : i32
      scf.if %cond3A_123 {
        %sub3A = arith.constant 2 : i32
        %sub3A_155 = arith.subi %add3A_114, %sub3A : i32
        %mul3A_156 = arith.constant 8 : i32
        %mul3A_157 = arith.muli %sub3A_155, %mul3A_156 : i32
        %dma_wait3A_158 = arith.constant 0 : i32
        %dma_wait3A_159 = tpu.memref_slice %arg4[%dma_wait3A_158, %mul3A_157, %mul3A_2] : memref<50x200x4096xf32, #tpu.memory_space<hbm>> -> memref<25x8x128xf32, #tpu.memory_space<hbm>>
        %dma_wait3A_160 = arith.constant 0 : i32
        %dma_wait3A_161 = tpu.memref_slice %arg4[%dma_wait3A_160, %mul3A_157, %mul3A_2] : memref<50x200x4096xf32, #tpu.memory_space<hbm>> -> memref<25x8x128xf32, #tpu.memory_space<hbm>>
        tpu.wait_dma2 semaphore(%arg13 : memref<!tpu.dma_semaphore, #tpu.memory_space<semaphore_mem>>) src(%arg9 : memref<25x8x128xf32, #tpu.memory_space<vmem>>) dst(%dma_wait3A_161 : memref<25x8x128xf32, #tpu.memory_space<hbm>>)
      } else {
      }
      %parallel_loop3A_124 = arith.constant 0 : i32
      %parallel_loop3A_125 = arith.constant 64 : i32
      %parallel_loop3A_126 = arith.constant 1 : i32
      scf.for %parallel_loop3A_155 = %parallel_loop3A_124 to %parallel_loop3A_125 step %parallel_loop3A_126  : i32 {
        %parallel_loop3A_156 = arith.constant 3 : i32
        %parallel_loop3A_157 = arith.shrsi %parallel_loop3A_155, %parallel_loop3A_156 : i32
        %parallel_loop3A_158 = arith.constant 7 : i32
        %parallel_loop3A_159 = arith.andi %parallel_loop3A_155, %parallel_loop3A_158 : i32
        %parallel_loop3A_160 = arith.constant 16 : i32
        %parallel_loop3A_161 = arith.muli %parallel_loop3A_159, %parallel_loop3A_160 : i32
        %parallel_loop3A_162 = arith.index_cast %parallel_loop3A_157 : i32 to index
        %parallel_loop3A_163 = arith.index_cast %parallel_loop3A_161 : i32 to index
        %parallel_loop3A_164 = tpu.vector_load %arg7[%parallel_loop3A_162, %parallel_loop3A_163] {strides = array<i32>} : memref<8x128xi32, #tpu.memory_space<vmem>>, vector<16xi32>,
        %parallel_loop3A_165 = arith.constant 50 : i32
        %parallel_loop3A_166 = vector.broadcast %parallel_loop3A_165 : i32 to vector<16xi32>
        %parallel_loop3A_167 = arith.muli %parallel_loop3A_164, %parallel_loop3A_166 : vector<16xi32>
        %parallel_loop3A_168 = arith.constant 0 : i32
        %parallel_loop3A_169 = vector.broadcast %parallel_loop3A_168 : i32 to vector<16xi32>
        %parallel_loop3A_170 = arith.addi %parallel_loop3A_167, %parallel_loop3A_169 : vector<16xi32>
        %parallel_loop3A_171 = arith.constant 0 : i32
        %parallel_loop3A_172 = arith.constant 25 : i32
        %parallel_loop3A_173 = arith.constant 1 : i32
        scf.for %parallel_loop3A_174 = %parallel_loop3A_171 to %parallel_loop3A_172 step %parallel_loop3A_173  : i32 {
          %parallel_loop3A_175 = vector.broadcast %parallel_loop3A_174 : i32 to vector<16xi32>
          %parallel_loop3A_176 = arith.addi %parallel_loop3A_170, %parallel_loop3A_175 : vector<16xi32>
          %parallel_loop3A_177 = tpu.vector_load_idx %arg5[%parallel_loop3A_176] : memref<5000xf32, #tpu.memory_space<vmem>>[vector<16xi32>], vector<16xf32>,
          %parallel_loop3A_178 = arith.constant 16 : i32
          %parallel_loop3A_179 = arith.muli %parallel_loop3A_159, %parallel_loop3A_178 : i32
          %parallel_loop3A_180 = arith.index_cast %parallel_loop3A_174 : i32 to index
          %parallel_loop3A_181 = arith.index_cast %parallel_loop3A_157 : i32 to index
          %parallel_loop3A_182 = arith.index_cast %parallel_loop3A_179 : i32 to index
          %parallel_loop3A_183 = tpu.vector_load %arg9[%parallel_loop3A_180, %parallel_loop3A_181, %parallel_loop3A_182] {strides = array<i32>} : memref<25x8x128xf32, #tpu.memory_space<vmem>>, vector<16xf32>,
          tpu.vector_store %arg9[%parallel_loop3A_180, %parallel_loop3A_181, %parallel_loop3A_182], %parallel_loop3A_177 {strides = array<i32>} : memref<25x8x128xf32, #tpu.memory_space<vmem>>, vector<16xf32>,
        } {sc.loop_unroll_factor = 25 : i64, sc.parallel_access}
      } {sc.loop_unroll_factor = 1 : i64, sc.parallel_access}
      %mul3A_127 = arith.constant 8 : i32
      %mul3A_128 = arith.muli %add3A_114, %mul3A_127 : i32
      %dma_start3A_129 = arith.constant 0 : i32
      %dma_start3A_130 = tpu.memref_slice %arg4[%dma_start3A_129, %mul3A_128, %mul3A_2] : memref<50x200x4096xf32, #tpu.memory_space<hbm>> -> memref<25x8x128xf32, #tpu.memory_space<hbm>>
      %dma_start3A_131 = arith.constant 0 : i32
      %dma_start3A_132 = tpu.memref_slice %arg4[%dma_start3A_131, %mul3A_128, %mul3A_2] : memref<50x200x4096xf32, #tpu.memory_space<hbm>> -> memref<25x8x128xf32, #tpu.memory_space<hbm>>
      tpu.enqueue_dma source(%arg9 : memref<25x8x128xf32, #tpu.memory_space<vmem>>) target(%dma_start3A_132 : memref<25x8x128xf32, #tpu.memory_space<hbm>>) target_semaphore(%arg13 : memref<!tpu.dma_semaphore, #tpu.memory_space<semaphore_mem>>)
      %ge3A_133 = arith.constant 2 : i32
      %ge3A_134 = arith.cmpi sge, %add3A_114, %ge3A_133 : i32
      %convert_element_type3A_135 = arith.extui %ge3A_134 : i1 to i32
      %cond3A_136 = arith.constant 0 : i32
      %cond3A_137 = arith.cmpi ne, %convert_element_type3A_135, %cond3A_136 : i32
      scf.if %cond3A_137 {
        %sub3A = arith.constant 2 : i32
        %sub3A_155 = arith.subi %add3A_114, %sub3A : i32
        %mul3A_156 = arith.constant 8 : i32
        %mul3A_157 = arith.muli %sub3A_155, %mul3A_156 : i32
        %dma_wait3A_158 = arith.constant 25 : i32
        %dma_wait3A_159 = tpu.memref_slice %arg4[%dma_wait3A_158, %mul3A_157, %mul3A_2] : memref<50x200x4096xf32, #tpu.memory_space<hbm>> -> memref<25x8x128xf32, #tpu.memory_space<hbm>>
        %dma_wait3A_160 = arith.constant 25 : i32
        %dma_wait3A_161 = tpu.memref_slice %arg4[%dma_wait3A_160, %mul3A_157, %mul3A_2] : memref<50x200x4096xf32, #tpu.memory_space<hbm>> -> memref<25x8x128xf32, #tpu.memory_space<hbm>>
        tpu.wait_dma2 semaphore(%arg15 : memref<!tpu.dma_semaphore, #tpu.memory_space<semaphore_mem>>) src(%arg11 : memref<25x8x128xf32, #tpu.memory_space<vmem>>) dst(%dma_wait3A_161 : memref<25x8x128xf32, #tpu.memory_space<hbm>>)
      } else {
      }
      %parallel_loop3A_138 = arith.constant 0 : i32
      %parallel_loop3A_139 = arith.constant 64 : i32
      %parallel_loop3A_140 = arith.constant 1 : i32
      scf.for %parallel_loop3A_155 = %parallel_loop3A_138 to %parallel_loop3A_139 step %parallel_loop3A_140  : i32 {
        %parallel_loop3A_156 = arith.constant 3 : i32
        %parallel_loop3A_157 = arith.shrsi %parallel_loop3A_155, %parallel_loop3A_156 : i32
        %parallel_loop3A_158 = arith.constant 7 : i32
        %parallel_loop3A_159 = arith.andi %parallel_loop3A_155, %parallel_loop3A_158 : i32
        %parallel_loop3A_160 = arith.constant 16 : i32
        %parallel_loop3A_161 = arith.muli %parallel_loop3A_159, %parallel_loop3A_160 : i32
        %parallel_loop3A_162 = arith.index_cast %parallel_loop3A_157 : i32 to index
        %parallel_loop3A_163 = arith.index_cast %parallel_loop3A_161 : i32 to index
        %parallel_loop3A_164 = tpu.vector_load %arg7[%parallel_loop3A_162, %parallel_loop3A_163] {strides = array<i32>} : memref<8x128xi32, #tpu.memory_space<vmem>>, vector<16xi32>,
        %parallel_loop3A_165 = arith.constant 50 : i32
        %parallel_loop3A_166 = vector.broadcast %parallel_loop3A_165 : i32 to vector<16xi32>
        %parallel_loop3A_167 = arith.muli %parallel_loop3A_164, %parallel_loop3A_166 : vector<16xi32>
        %parallel_loop3A_168 = arith.constant 25 : i32
        %parallel_loop3A_169 = vector.broadcast %parallel_loop3A_168 : i32 to vector<16xi32>
        %parallel_loop3A_170 = arith.addi %parallel_loop3A_167, %parallel_loop3A_169 : vector<16xi32>
        %parallel_loop3A_171 = arith.constant 0 : i32
        %parallel_loop3A_172 = arith.constant 25 : i32
        %parallel_loop3A_173 = arith.constant 1 : i32
        scf.for %parallel_loop3A_174 = %parallel_loop3A_171 to %parallel_loop3A_172 step %parallel_loop3A_173  : i32 {
          %parallel_loop3A_175 = vector.broadcast %parallel_loop3A_174 : i32 to vector<16xi32>
          %parallel_loop3A_176 = arith.addi %parallel_loop3A_170, %parallel_loop3A_175 : vector<16xi32>
          %parallel_loop3A_177 = tpu.vector_load_idx %arg5[%parallel_loop3A_176] : memref<5000xf32, #tpu.memory_space<vmem>>[vector<16xi32>], vector<16xf32>,
          %parallel_loop3A_178 = arith.constant 16 : i32
          %parallel_loop3A_179 = arith.muli %parallel_loop3A_159, %parallel_loop3A_178 : i32
          %parallel_loop3A_180 = arith.index_cast %parallel_loop3A_174 : i32 to index
          %parallel_loop3A_181 = arith.index_cast %parallel_loop3A_157 : i32 to index
          %parallel_loop3A_182 = arith.index_cast %parallel_loop3A_179 : i32 to index
          %parallel_loop3A_183 = tpu.vector_load %arg11[%parallel_loop3A_180, %parallel_loop3A_181, %parallel_loop3A_182] {strides = array<i32>} : memref<25x8x128xf32, #tpu.memory_space<vmem>>, vector<16xf32>,
          tpu.vector_store %arg11[%parallel_loop3A_180, %parallel_loop3A_181, %parallel_loop3A_182], %parallel_loop3A_177 {strides = array<i32>} : memref<25x8x128xf32, #tpu.memory_space<vmem>>, vector<16xf32>,
        } {sc.loop_unroll_factor = 25 : i64, sc.parallel_access}
      } {sc.loop_unroll_factor = 1 : i64, sc.parallel_access}
      %mul3A_141 = arith.constant 8 : i32
      %mul3A_142 = arith.muli %add3A_114, %mul3A_141 : i32
      %dma_start3A_143 = arith.constant 25 : i32
      %dma_start3A_144 = tpu.memref_slice %arg4[%dma_start3A_143, %mul3A_142, %mul3A_2] : memref<50x200x4096xf32, #tpu.memory_space<hbm>> -> memref<25x8x128xf32, #tpu.memory_space<hbm>>
      %dma_start3A_145 = arith.constant 25 : i32
      %dma_start3A_146 = tpu.memref_slice %arg4[%dma_start3A_145, %mul3A_142, %mul3A_2] : memref<50x200x4096xf32, #tpu.memory_space<hbm>> -> memref<25x8x128xf32, #tpu.memory_space<hbm>>
      tpu.enqueue_dma source(%arg11 : memref<25x8x128xf32, #tpu.memory_space<vmem>>) target(%dma_start3A_146 : memref<25x8x128xf32, #tpu.memory_space<hbm>>) target_semaphore(%arg15 : memref<!tpu.dma_semaphore, #tpu.memory_space<semaphore_mem>>)
      %add3A_147 = arith.constant 2 : i32
      %add3A_148 = arith.addi %add3A_114, %add3A_147 : i32
      %lt3A_149 = arith.constant 25 : i32
      %lt3A_150 = arith.cmpi slt, %add3A_148, %lt3A_149 : i32
      %convert_element_type3A_151 = arith.extui %lt3A_150 : i1 to i32
      %cond3A_152 = arith.constant 0 : i32
      %cond3A_153 = arith.cmpi ne, %convert_element_type3A_151, %cond3A_152 : i32
      scf.if %cond3A_153 {
        %add3A_155 = arith.constant 2 : i32
        %add3A_156 = arith.addi %add3A_114, %add3A_155 : i32
        %mul3A_157 = arith.constant 8 : i32
        %mul3A_158 = arith.muli %add3A_156, %mul3A_157 : i32
        %dma_start3A_159 = tpu.memref_slice %arg3[%mul3A_158, %mul3A_2] : memref<200x4096xi32, #tpu.memory_space<hbm>> -> memref<8x128xi32, #tpu.memory_space<hbm>>
        %dma_start3A_160 = tpu.memref_slice %arg3[%mul3A_158, %mul3A_2] : memref<200x4096xi32, #tpu.memory_space<hbm>> -> memref<8x128xi32, #tpu.memory_space<hbm>>
        tpu.enqueue_dma source(%dma_start3A_160 : memref<8x128xi32, #tpu.memory_space<hbm>>) target(%arg7 : memref<8x128xi32, #tpu.memory_space<vmem>>) target_semaphore(%arg17 : memref<!tpu.dma_semaphore, #tpu.memory_space<semaphore_mem>>)
      } else {
      }
      %scan3A_154 = arith.constant 0 : i32
      scf.yield %scan3A_154 : i32
    }
    %scan3A_15 = arith.constant 12 : i32
    %dma_wait3A = arith.constant 192 : i32
    %dma_wait3A_16 = tpu.memref_slice %arg3[%dma_wait3A, %mul3A_2] : memref<200x4096xi32, #tpu.memory_space<hbm>> -> memref<8x128xi32, #tpu.memory_space<hbm>>
    %dma_wait3A_17 = arith.constant 192 : i32
    %dma_wait3A_18 = tpu.memref_slice %arg3[%dma_wait3A_17, %mul3A_2] : memref<200x4096xi32, #tpu.memory_space<hbm>> -> memref<8x128xi32, #tpu.memory_space<hbm>>
    tpu.wait_dma2 semaphore(%arg16 : memref<!tpu.dma_semaphore, #tpu.memory_space<semaphore_mem>>) src(%dma_wait3A_18 : memref<8x128xi32, #tpu.memory_space<hbm>>) dst(%arg6 : memref<8x128xi32, #tpu.memory_space<vmem>>)
    %dma_wait3A_19 = arith.constant 0 : i32
    %dma_wait3A_20 = arith.constant 176 : i32
    %dma_wait3A_21 = tpu.memref_slice %arg4[%dma_wait3A_19, %dma_wait3A_20, %mul3A_2] : memref<50x200x4096xf32, #tpu.memory_space<hbm>> -> memref<25x8x128xf32, #tpu.memory_space<hbm>>
    %dma_wait3A_22 = arith.constant 0 : i32
    %dma_wait3A_23 = arith.constant 176 : i32
    %dma_wait3A_24 = tpu.memref_slice %arg4[%dma_wait3A_22, %dma_wait3A_23, %mul3A_2] : memref<50x200x4096xf32, #tpu.memory_space<hbm>> -> memref<25x8x128xf32, #tpu.memory_space<hbm>>
    tpu.wait_dma2 semaphore(%arg12 : memref<!tpu.dma_semaphore, #tpu.memory_space<semaphore_mem>>) src(%arg8 : memref<25x8x128xf32, #tpu.memory_space<vmem>>) dst(%dma_wait3A_24 : memref<25x8x128xf32, #tpu.memory_space<hbm>>)
    %parallel_loop3A = arith.constant 0 : i32
    %parallel_loop3A_25 = arith.constant 64 : i32
    %parallel_loop3A_26 = arith.constant 1 : i32
    scf.for %parallel_loop3A_72 = %parallel_loop3A to %parallel_loop3A_25 step %parallel_loop3A_26  : i32 {
      %parallel_loop3A_73 = arith.constant 3 : i32
      %parallel_loop3A_74 = arith.shrsi %parallel_loop3A_72, %parallel_loop3A_73 : i32
      %parallel_loop3A_75 = arith.constant 7 : i32
      %parallel_loop3A_76 = arith.andi %parallel_loop3A_72, %parallel_loop3A_75 : i32
      %parallel_loop3A_77 = arith.constant 16 : i32
      %parallel_loop3A_78 = arith.muli %parallel_loop3A_76, %parallel_loop3A_77 : i32
      %parallel_loop3A_79 = arith.index_cast %parallel_loop3A_74 : i32 to index
      %parallel_loop3A_80 = arith.index_cast %parallel_loop3A_78 : i32 to index
      %parallel_loop3A_81 = tpu.vector_load %arg6[%parallel_loop3A_79, %parallel_loop3A_80] {strides = array<i32>} : memref<8x128xi32, #tpu.memory_space<vmem>>, vector<16xi32>,
      %parallel_loop3A_82 = arith.constant 50 : i32
      %parallel_loop3A_83 = vector.broadcast %parallel_loop3A_82 : i32 to vector<16xi32>
      %parallel_loop3A_84 = arith.muli %parallel_loop3A_81, %parallel_loop3A_83 : vector<16xi32>
      %parallel_loop3A_85 = arith.constant 0 : i32
      %parallel_loop3A_86 = vector.broadcast %parallel_loop3A_85 : i32 to vector<16xi32>
      %parallel_loop3A_87 = arith.addi %parallel_loop3A_84, %parallel_loop3A_86 : vector<16xi32>
      %parallel_loop3A_88 = arith.constant 0 : i32
      %parallel_loop3A_89 = arith.constant 25 : i32
      %parallel_loop3A_90 = arith.constant 1 : i32
      scf.for %parallel_loop3A_91 = %parallel_loop3A_88 to %parallel_loop3A_89 step %parallel_loop3A_90  : i32 {
        %parallel_loop3A_92 = vector.broadcast %parallel_loop3A_91 : i32 to vector<16xi32>
        %parallel_loop3A_93 = arith.addi %parallel_loop3A_87, %parallel_loop3A_92 : vector<16xi32>
        %parallel_loop3A_94 = tpu.vector_load_idx %arg5[%parallel_loop3A_93] : memref<5000xf32, #tpu.memory_space<vmem>>[vector<16xi32>], vector<16xf32>,
        %parallel_loop3A_95 = arith.constant 16 : i32
        %parallel_loop3A_96 = arith.muli %parallel_loop3A_76, %parallel_loop3A_95 : i32
        %parallel_loop3A_97 = arith.index_cast %parallel_loop3A_91 : i32 to index
        %parallel_loop3A_98 = arith.index_cast %parallel_loop3A_74 : i32 to index
        %parallel_loop3A_99 = arith.index_cast %parallel_loop3A_96 : i32 to index
        %parallel_loop3A_100 = tpu.vector_load %arg8[%parallel_loop3A_97, %parallel_loop3A_98, %parallel_loop3A_99] {strides = array<i32>} : memref<25x8x128xf32, #tpu.memory_space<vmem>>, vector<16xf32>,
        tpu.vector_store %arg8[%parallel_loop3A_97, %parallel_loop3A_98, %parallel_loop3A_99], %parallel_loop3A_94 {strides = array<i32>} : memref<25x8x128xf32, #tpu.memory_space<vmem>>, vector<16xf32>,
      } {sc.loop_unroll_factor = 25 : i64, sc.parallel_access}
    } {sc.loop_unroll_factor = 1 : i64, sc.parallel_access}
    %dma_start3A_27 = arith.constant 0 : i32
    %dma_start3A_28 = arith.constant 192 : i32
    %dma_start3A_29 = tpu.memref_slice %arg4[%dma_start3A_27, %dma_start3A_28, %mul3A_2] : memref<50x200x4096xf32, #tpu.memory_space<hbm>> -> memref<25x8x128xf32, #tpu.memory_space<hbm>>
    %dma_start3A_30 = arith.constant 0 : i32
    %dma_start3A_31 = arith.constant 192 : i32
    %dma_start3A_32 = tpu.memref_slice %arg4[%dma_start3A_30, %dma_start3A_31, %mul3A_2] : memref<50x200x4096xf32, #tpu.memory_space<hbm>> -> memref<25x8x128xf32, #tpu.memory_space<hbm>>
    tpu.enqueue_dma source(%arg8 : memref<25x8x128xf32, #tpu.memory_space<vmem>>) target(%dma_start3A_32 : memref<25x8x128xf32, #tpu.memory_space<hbm>>) target_semaphore(%arg12 : memref<!tpu.dma_semaphore, #tpu.memory_space<semaphore_mem>>)
    %dma_wait3A_33 = arith.constant 25 : i32
    %dma_wait3A_34 = arith.constant 176 : i32
    %dma_wait3A_35 = tpu.memref_slice %arg4[%dma_wait3A_33, %dma_wait3A_34, %mul3A_2] : memref<50x200x4096xf32, #tpu.memory_space<hbm>> -> memref<25x8x128xf32, #tpu.memory_space<hbm>>
    %dma_wait3A_36 = arith.constant 25 : i32
    %dma_wait3A_37 = arith.constant 176 : i32
    %dma_wait3A_38 = tpu.memref_slice %arg4[%dma_wait3A_36, %dma_wait3A_37, %mul3A_2] : memref<50x200x4096xf32, #tpu.memory_space<hbm>> -> memref<25x8x128xf32, #tpu.memory_space<hbm>>
    tpu.wait_dma2 semaphore(%arg14 : memref<!tpu.dma_semaphore, #tpu.memory_space<semaphore_mem>>) src(%arg10 : memref<25x8x128xf32, #tpu.memory_space<vmem>>) dst(%dma_wait3A_38 : memref<25x8x128xf32, #tpu.memory_space<hbm>>)
    %parallel_loop3A_39 = arith.constant 0 : i32
    %parallel_loop3A_40 = arith.constant 64 : i32
    %parallel_loop3A_41 = arith.constant 1 : i32
    scf.for %parallel_loop3A_72 = %parallel_loop3A_39 to %parallel_loop3A_40 step %parallel_loop3A_41  : i32 {
      %parallel_loop3A_73 = arith.constant 3 : i32
      %parallel_loop3A_74 = arith.shrsi %parallel_loop3A_72, %parallel_loop3A_73 : i32
      %parallel_loop3A_75 = arith.constant 7 : i32
      %parallel_loop3A_76 = arith.andi %parallel_loop3A_72, %parallel_loop3A_75 : i32
      %parallel_loop3A_77 = arith.constant 16 : i32
      %parallel_loop3A_78 = arith.muli %parallel_loop3A_76, %parallel_loop3A_77 : i32
      %parallel_loop3A_79 = arith.index_cast %parallel_loop3A_74 : i32 to index
      %parallel_loop3A_80 = arith.index_cast %parallel_loop3A_78 : i32 to index
      %parallel_loop3A_81 = tpu.vector_load %arg6[%parallel_loop3A_79, %parallel_loop3A_80] {strides = array<i32>} : memref<8x128xi32, #tpu.memory_space<vmem>>, vector<16xi32>,
      %parallel_loop3A_82 = arith.constant 50 : i32
      %parallel_loop3A_83 = vector.broadcast %parallel_loop3A_82 : i32 to vector<16xi32>
      %parallel_loop3A_84 = arith.muli %parallel_loop3A_81, %parallel_loop3A_83 : vector<16xi32>
      %parallel_loop3A_85 = arith.constant 25 : i32
      %parallel_loop3A_86 = vector.broadcast %parallel_loop3A_85 : i32 to vector<16xi32>
      %parallel_loop3A_87 = arith.addi %parallel_loop3A_84, %parallel_loop3A_86 : vector<16xi32>
      %parallel_loop3A_88 = arith.constant 0 : i32
      %parallel_loop3A_89 = arith.constant 25 : i32
      %parallel_loop3A_90 = arith.constant 1 : i32
      scf.for %parallel_loop3A_91 = %parallel_loop3A_88 to %parallel_loop3A_89 step %parallel_loop3A_90  : i32 {
        %parallel_loop3A_92 = vector.broadcast %parallel_loop3A_91 : i32 to vector<16xi32>
        %parallel_loop3A_93 = arith.addi %parallel_loop3A_87, %parallel_loop3A_92 : vector<16xi32>
        %parallel_loop3A_94 = tpu.vector_load_idx %arg5[%parallel_loop3A_93] : memref<5000xf32, #tpu.memory_space<vmem>>[vector<16xi32>], vector<16xf32>,
        %parallel_loop3A_95 = arith.constant 16 : i32
        %parallel_loop3A_96 = arith.muli %parallel_loop3A_76, %parallel_loop3A_95 : i32
        %parallel_loop3A_97 = arith.index_cast %parallel_loop3A_91 : i32 to index
        %parallel_loop3A_98 = arith.index_cast %parallel_loop3A_74 : i32 to index
        %parallel_loop3A_99 = arith.index_cast %parallel_loop3A_96 : i32 to index
        %parallel_loop3A_100 = tpu.vector_load %arg10[%parallel_loop3A_97, %parallel_loop3A_98, %parallel_loop3A_99] {strides = array<i32>} : memref<25x8x128xf32, #tpu.memory_space<vmem>>, vector<16xf32>,
        tpu.vector_store %arg10[%parallel_loop3A_97, %parallel_loop3A_98, %parallel_loop3A_99], %parallel_loop3A_94 {strides = array<i32>} : memref<25x8x128xf32, #tpu.memory_space<vmem>>, vector<16xf32>,
      } {sc.loop_unroll_factor = 25 : i64, sc.parallel_access}
    } {sc.loop_unroll_factor = 1 : i64, sc.parallel_access}
    %dma_start3A_42 = arith.constant 25 : i32
    %dma_start3A_43 = arith.constant 192 : i32
    %dma_start3A_44 = tpu.memref_slice %arg4[%dma_start3A_42, %dma_start3A_43, %mul3A_2] : memref<50x200x4096xf32, #tpu.memory_space<hbm>> -> memref<25x8x128xf32, #tpu.memory_space<hbm>>
    %dma_start3A_45 = arith.constant 25 : i32
    %dma_start3A_46 = arith.constant 192 : i32
    %dma_start3A_47 = tpu.memref_slice %arg4[%dma_start3A_45, %dma_start3A_46, %mul3A_2] : memref<50x200x4096xf32, #tpu.memory_space<hbm>> -> memref<25x8x128xf32, #tpu.memory_space<hbm>>
    tpu.enqueue_dma source(%arg10 : memref<25x8x128xf32, #tpu.memory_space<vmem>>) target(%dma_start3A_47 : memref<25x8x128xf32, #tpu.memory_space<hbm>>) target_semaphore(%arg14 : memref<!tpu.dma_semaphore, #tpu.memory_space<semaphore_mem>>)
    %dma_wait3A_48 = arith.constant 0 : i32
    %dma_wait3A_49 = arith.constant 184 : i32
    %dma_wait3A_50 = tpu.memref_slice %arg4[%dma_wait3A_48, %dma_wait3A_49, %mul3A_2] : memref<50x200x4096xf32, #tpu.memory_space<hbm>> -> memref<25x8x128xf32, #tpu.memory_space<hbm>>
    %dma_wait3A_51 = arith.constant 0 : i32
    %dma_wait3A_52 = arith.constant 184 : i32
    %dma_wait3A_53 = tpu.memref_slice %arg4[%dma_wait3A_51, %dma_wait3A_52, %mul3A_2] : memref<50x200x4096xf32, #tpu.memory_space<hbm>> -> memref<25x8x128xf32, #tpu.memory_space<hbm>>
    tpu.wait_dma2 semaphore(%arg13 : memref<!tpu.dma_semaphore, #tpu.memory_space<semaphore_mem>>) src(%arg9 : memref<25x8x128xf32, #tpu.memory_space<vmem>>) dst(%dma_wait3A_53 : memref<25x8x128xf32, #tpu.memory_space<hbm>>)
    %dma_wait3A_54 = arith.constant 0 : i32
    %dma_wait3A_55 = arith.constant 192 : i32
    %dma_wait3A_56 = tpu.memref_slice %arg4[%dma_wait3A_54, %dma_wait3A_55, %mul3A_2] : memref<50x200x4096xf32, #tpu.memory_space<hbm>> -> memref<25x8x128xf32, #tpu.memory_space<hbm>>
    %dma_wait3A_57 = arith.constant 0 : i32
    %dma_wait3A_58 = arith.constant 192 : i32
    %dma_wait3A_59 = tpu.memref_slice %arg4[%dma_wait3A_57, %dma_wait3A_58, %mul3A_2] : memref<50x200x4096xf32, #tpu.memory_space<hbm>> -> memref<25x8x128xf32, #tpu.memory_space<hbm>>
    tpu.wait_dma2 semaphore(%arg12 : memref<!tpu.dma_semaphore, #tpu.memory_space<semaphore_mem>>) src(%arg8 : memref<25x8x128xf32, #tpu.memory_space<vmem>>) dst(%dma_wait3A_59 : memref<25x8x128xf32, #tpu.memory_space<hbm>>)
    %dma_wait3A_60 = arith.constant 25 : i32
    %dma_wait3A_61 = arith.constant 184 : i32
    %dma_wait3A_62 = tpu.memref_slice %arg4[%dma_wait3A_60, %dma_wait3A_61, %mul3A_2] : memref<50x200x4096xf32, #tpu.memory_space<hbm>> -> memref<25x8x128xf32, #tpu.memory_space<hbm>>
    %dma_wait3A_63 = arith.constant 25 : i32
    %dma_wait3A_64 = arith.constant 184 : i32
    %dma_wait3A_65 = tpu.memref_slice %arg4[%dma_wait3A_63, %dma_wait3A_64, %mul3A_2] : memref<50x200x4096xf32, #tpu.memory_space<hbm>> -> memref<25x8x128xf32, #tpu.memory_space<hbm>>
    tpu.wait_dma2 semaphore(%arg15 : memref<!tpu.dma_semaphore, #tpu.memory_space<semaphore_mem>>) src(%arg11 : memref<25x8x128xf32, #tpu.memory_space<vmem>>) dst(%dma_wait3A_65 : memref<25x8x128xf32, #tpu.memory_space<hbm>>)
    %dma_wait3A_66 = arith.constant 25 : i32
    %dma_wait3A_67 = arith.constant 192 : i32
    %dma_wait3A_68 = tpu.memref_slice %arg4[%dma_wait3A_66, %dma_wait3A_67, %mul3A_2] : memref<50x200x4096xf32, #tpu.memory_space<hbm>> -> memref<25x8x128xf32, #tpu.memory_space<hbm>>
    %dma_wait3A_69 = arith.constant 25 : i32
    %dma_wait3A_70 = arith.constant 192 : i32
    %dma_wait3A_71 = tpu.memref_slice %arg4[%dma_wait3A_69, %dma_wait3A_70, %mul3A_2] : memref<50x200x4096xf32, #tpu.memory_space<hbm>> -> memref<25x8x128xf32, #tpu.memory_space<hbm>>
    tpu.wait_dma2 semaphore(%arg14 : memref<!tpu.dma_semaphore, #tpu.memory_space<semaphore_mem>>) src(%arg10 : memref<25x8x128xf32, #tpu.memory_space<vmem>>) dst(%dma_wait3A_71 : memref<25x8x128xf32, #tpu.memory_space<hbm>>)
    return
  }
}

</mosaic_0001>

<sc_bundles>
// kernel: kernel.3.cloned.1.call-start
scs
__scs_entry_jumppad:
0x0: {  	(pc) =	sbr.rel $0x88, $3  }
0x1: {  	(tag) =	ssettag $0x0;
	lr =	simm.s32 $0x1  }
0x2: {  	[smem:$0x3F9F] =	sst lr;
	_ =	strace $0xD0000000  }
0x3: {  	_ = 	snop  }
0x4: {  	_ = 	snop  }
0x5: {  	_ = 	snop  }
0x6: {  	_ = 	snop  }
0x7: {  	_ = 	snop  }
__scs_overlays_trampoline_lowered:
0x8: {  	[smem:$0x3FAE] =	sst s0  }
0x9: {  	[smem:$0x3FAF] =	sst s1  }
0xa: {  	[smem:$0x3FB0] =	sst s2  }
0xb: {  	[smem:$0x3FB1] =	sst s3  }
0xc: {  	[smem:$0x3FB2] =	sst s4  }
0xd: {  	[smem:$0x3FB3] =	sst s5  }
0xe: {  	[smem:$0x3FB4] =	sst s6  }
0xf: {  	[smem:$0x3FB5] =	sst s7  }
0x10: {  	[smem:$0x3FB6] =	sst s8  }
0x11: {  	[smem:$0x3FB7] =	sst s9;
	s0 =	simm.s32 @!p0 $0x0  }
0x12: {  	s1 =	sld [smem:$0x3F9D];
	s0 =	simm.s32 @p0 $0x1  }
0x13: {  	[smem:$0x3FB8] =	sst s0;
	s0 =	simm.s32 @!p1 $0x0  }
0x14: {  	s2 =	sld [smem:$0x3F9C];
	s0 =	simm.s32 @p1 $0x1  }
0x15: {  	[smem:$0x3FB9] =	sst s0;
	s0 =	simm.s32 @!p2 $0x0  }
0x16: {  	s3 =	sld [smem:$0x3FDB];
	s0 =	simm.s32 @p2 $0x1  }
0x17: {  	s4 =	simm.s32 $0x1BF5;
	[smem:$0x3FBB] =	sst s0  }
0x18: {  	s0 =	sld [smem:$0x3F9E];
	_ =	swait.ge [sflag:s4], $0x0  }
0x19: {  	s7 =	sld [smem:$0x3F9F]  }
0x1a: {  	s8 =	sadd.s32 $0xFFFFE003, lr  }
0x1b: {  	s9 =	sadd.s32 $0xFFFFFEF7, lr;
	s5 =	simm.s32 $0xFFFFFFFF;
	p2 =	slt.u32 s8, $0xFFFFF086  }
0x1c: {  	p1 =	slt.u32 s9, $0xF7A;
	s5 =	simm.s32 @!p2 $0x0  }
0x1d: {  	s5 =	simm.s32 @p1 $0x1;
	p0 =	seq.s32 s7, s2  }
0x1e: {  	s7 =	smul.u32 @!p0 $0xF7A, s2;
	p2 =	seq.s32 @!p0 s5, $0x0  }
0x1f: {  	s9 =	smul.u32 $0xF7A, s1;
	s8 =	simm.s32 @!p0 $0x1BF5;
	p2 =	por !p2, p0  }
0x20: {  	[sflag:s8] =	ssyncset.s32 @!p0 $0xFFFFF086;
	s6 =	sadd.s32 @!p0 s3, s7;
	s7 =	simm.s32 @!p0 $0x108  }
0x21: {  	s3 =	sadd.s32 s3, s9;
	s6 =	sadd.s32 @!p0 $0x88, s6;
	s7 =	simm.s32 @p2 $0x1082  }
0x22: {  	[simem:s7], [sflag:s8] =	dma.local @!p0 [hbm:s6], $0xF7A  }
0x23: {  	s9 =	sor.u32 $0xD0000000, s2;
	s6 =	simm.s32 $0x108;
	_ =	swait.ge @!p0 [sflag:s8], $0x0  }
0x24: {  	s3 =	sadd.s32 $0x88, s3;
	s6 =	simm.s32 @!p1 $0x1082;
	[sflag:s4] =	ssyncset.s32 $0xFFFFF086  }
0x25: {  	[simem:s6], [sflag:s4] =	dma.local [hbm:s3], $0xF7A  }
0x26: {  	[smem:$0x3F9F] =	sst s1;
	(tag) =	ssettag s2;
	_ =	strace s9  }
0x27: {  	s1 =	sld [smem:$0x3FAF]  }
0x28: {  	s2 =	sld [smem:$0x3FB0]  }
0x29: {  	s4 =	sld [smem:$0x3FB2]  }
0x2a: {  	p0 =	seq.s32 s5, $0x0;
	s5 =	sld [smem:$0x3FB3]  }
0x2b: {  	s6 =	sld [smem:$0x3FB4]  }
0x2c: {  	s7 =	sld [smem:$0x3FB5]  }
0x2d: {  	s3 =	simm.s32 $0x108;
	s8 =	sld [smem:$0x3FB6]  }
0x2e: {  	s3 =	simm.s32 @!p0 $0x1082;
	s9 =	sld [smem:$0x3FB7]  }
0x2f: {  	lr =	sadd.s32 s0, s3;
	s0 =	sld [smem:$0x3FAE]  }
0x30: {  	s3 =	sld [smem:$0x3FB1]  }
0x31: {  	[smem:$0x3FBA] =	sst s10  }
0x32: {  	s10 =	sld [smem:$0x3FB8];
	_ =	sdelay $0x3  }
0x33: {  	p0 =	seq.s32 s10, $0x1;
	s10 =	sld [smem:$0x3FBA];
	_ =	sdelay $0x3  }
0x34: {  	[smem:$0x3FBA] =	sst s10  }
0x35: {  	s10 =	sld [smem:$0x3FB9];
	_ =	sdelay $0x3  }
0x36: {  	p1 =	seq.s32 s10, $0x1;
	s10 =	sld [smem:$0x3FBA];
	_ =	sdelay $0x3  }
0x37: {  	[smem:$0x3FBA] =	sst s10  }
0x38: {  	s10 =	sld [smem:$0x3FBB]  }
0x39: {  	_ = 	snop;
	(pc) =	sbr.ind lr, $3  }
0x3a: {  	_ = 	snop  }
0x3b: {  	_ = 	snop  }
0x3c: {  	p2 =	seq.s32 s10, $0x1;
	s10 =	sld [smem:$0x3FBA]  }
0x3d: {  	_ =	shalt  }
0x3e: {  	_ =	shalt  }
0x3f: {  	_ =	shalt  }
0x40: {  	_ =	shalt  }
0x41: {  	_ =	shalt  }
0x42: {  	_ =	shalt  }
0x43: {  	_ =	shalt  }
0x44: {  	_ =	shalt  }
0x45: {  	_ =	shalt  }
0x46: {  	_ =	shalt  }
0x47: {  	_ =	shalt  }
0x48: {  	_ =	shalt  }
0x49: {  	_ =	shalt  }
0x4a: {  	_ =	shalt  }
0x4b: {  	_ =	shalt  }
0x4c: {  	_ =	shalt  }
0x4d: {  	_ =	shalt  }
0x4e: {  	_ =	shalt  }
0x4f: {  	_ =	shalt  }
0x50: {  	_ =	shalt  }
0x51: {  	_ =	shalt  }
0x52: {  	_ =	shalt  }
0x53: {  	_ =	shalt  }
0x54: {  	_ =	shalt  }
0x55: {  	_ =	shalt  }
0x56: {  	_ =	shalt  }
0x57: {  	_ =	shalt  }
0x58: {  	_ =	shalt  }
0x59: {  	_ =	shalt  }
0x5a: {  	_ =	shalt  }
0x5b: {  	_ =	shalt  }
0x5c: {  	_ =	shalt  }
0x5d: {  	_ =	shalt  }
0x5e: {  	_ =	shalt  }
0x5f: {  	_ =	shalt  }
0x60: {  	_ =	shalt  }
0x61: {  	_ =	shalt  }
0x62: {  	_ =	shalt  }
0x63: {  	_ =	shalt  }
0x64: {  	_ =	shalt  }
0x65: {  	_ =	shalt  }
0x66: {  	_ =	shalt  }
0x67: {  	_ =	shalt  }
0x68: {  	_ =	shalt  }
0x69: {  	_ =	shalt  }
0x6a: {  	_ =	shalt  }
0x6b: {  	_ =	shalt  }
0x6c: {  	_ =	shalt  }
0x6d: {  	_ =	shalt  }
0x6e: {  	_ =	shalt  }
0x6f: {  	_ =	shalt  }
0x70: {  	_ =	shalt  }
0x71: {  	_ =	shalt  }
0x72: {  	_ =	shalt  }
0x73: {  	_ =	shalt  }
0x74: {  	_ =	shalt  }
0x75: {  	_ =	shalt  }
0x76: {  	_ =	shalt  }
0x77: {  	_ =	shalt  }
0x78: {  	_ =	shalt  }
0x79: {  	_ =	shalt  }
0x7a: {  	_ =	shalt  }
0x7b: {  	_ =	shalt  }
0x7c: {  	_ =	shalt  }
0x7d: {  	_ =	shalt  }
0x7e: {  	_ =	shalt  }
0x7f: {  	_ =	shalt  }
0x80: {  	_ =	shalt  }
0x81: {  	_ =	shalt  }
0x82: {  	_ =	shalt  }
0x83: {  	_ =	shalt  }
0x84: {  	_ =	shalt  }
0x85: {  	_ =	shalt  }
0x86: {  	_ =	shalt  }
0x87: {  	_ =	shalt  }
.Lfunc_end0:
.L_simem_size_0:
called_computation_lowered:
.L_overlay_start_0:
0x88: {  	s2 =	sld [smem:$0x3FD9]  }
0x89: {  	s3 =	sld [smem:$0x3FFE];
	_ =	sdelay $0x1  }
0x8a: {  	s1 =	srdreg.scid  }
0x8b: {  	s0 =	sand.u32 $0x1, s1  }
0x8c: {  	s17 =	sshll.u32 s0, $0xA;
	s2 =	sadd.s32 s3, s2  }
0x8d: {  	s2 =	sadd.s32 s2, s17  }
0x8e: {  	[smem:$0x3FC6] =	sst s2  }
0x8f: {  	_ = 	snop  }
0x90: {  	s2 =	sld [smem:$0x3FC9]  }
0x91: {  	s18 =	sld [smem:$0x3FD0];
	(tm) =	ssettm $0x1  }
0x92: {  	s4 =	sld [smem:$0x3FFB];
	_ =	sdelay $0x3  }
0x93: {  	_ =	strace s4  }
0x94: {  	s4 =	sld [smem:$0x3FFC];
	_ =	sdelay $0x3  }
0x95: {  	_ =	strace s4  }
0x96: {  	s4 =	sld [smem:$0x3FFD];
	_ =	sdelay $0x3  }
0x97: {  	_ =	strace s4  }
0x98: {  	_ =	strace $0x8FFFFFFF  }
0x99: {  	s19 =	sld [smem:$0x3FDB];
	_ =	sdelay $0x1  }
0x9a: {  	s5 =	simm.s32 $_scs_section_size  }
0x9b: {  	s6 =	simm.s32 $_size__tile_overlayer_lowered;
	s7 =	simm.s32 $_tile_overlayer_lowered  }
0x9c: {  	s22 =	simm.s32 $0x1BFF;
	s21 =	sshll.u32 s7, $0x1;
	s4 =	sadd.s32 s5, s19  }
0x9d: {  	s8 =	simm.s32 $0x0;
	s20 =	sshll.u32 s6, $0x1;
	s6 =	sadd.s32 s21, s4  }
0x9e: {  	[timem:s8], [sflag:s22] =	dma.local [hbm:s6], s20  }
0x9f: {  	_ =	swait.ge [sflag:s22], s20  }
0xa0: {  	s5 =	ssub.s32 $0x0, s20;
	[sflag:s22] =	ssyncset.done $0x0  }
0xa1: {  	[sflag:s22] =	ssyncadd.s32 s5;
	_ =	sdelay $0x1  }
0xa2: {  	s23 =	simm.s32 $0x1B8B  }
0xa3: {  	_ =	swait.ge [sflag:s23], $0x1  }
0xa4: {  	[sflag:s23] =	ssyncset.done $0x0  }
0xa5: {  	s25 =	simm.s32 $0x1B8E;
	s24 =	sld [smem:$0x3FFE];
	[sflag:s23] =	ssyncadd.s32 $0xFFFFFFFF  }
0xa6: {  	s26 =	simm.s32 $execute0_lowered;
	[smem:$0x3FD2] =	sst s25  }
0xa7: {  	s6 =	sshll.u32 s26, $0x1;
	_ =	strace $0x80000046;
	[dreg:$0x1] =	wrdreg $0xFFFFFFFF  }
0xa8: {  	s28 =	simm.s32 $_size_execute0_lowered;
	s4 =	sadd.s32 s4, s6;
	[dreg:$0x0] =	wrdreg $0x0  }
0xa9: {  	s6 =	sshll.u32 s28, $0x1;
	[dreg:$0x2] =	wrdreg s4  }
0xaa: {  	[dreg:$0x3] =	wrdreg s6  }
0xab: {  	[dreg:$0x4] =	wrdreg $0xC0  }
0xac: {  	_ =	task [dreg:s8], $0x5FFFF  }
0xad: {  	[dreg:$0x1] =	wrdreg $0xFFFFFFFF  }
0xae: {  	[dreg:$0x0] =	wrdreg $0x60  }
0xaf: {  	[dreg:$0x2] =	wrdreg s24  }
0xb0: {  	[dreg:$0x3] =	wrdreg s2  }
0xb1: {  	[dreg:$0x4] =	wrdreg s18  }
0xb2: {  	[dreg:$0x5] =	wrdreg $0x9  }
0xb3: {  	_ =	task.clear_ibuf [dreg:s8], $0x6FFFF;
	_ =	strace $0x90000046  }
0xb4: {  	s29 =	simm.s32 $0x9;
	_ =	strace $0x80000048  }
0xb5: {  	_ =	swait.ge [sflag:s29], $0x1  }
0xb6: {  	[sflag:s29] =	ssyncadd.s32 $0xFFFFFFFF  }
0xb7: {  	_ =	strace $0x90000048  }
0xb8: {  	_ =	sfence  }
0xb9: {  	s30 =	sld [smem:$0x0];
	_ =	sdelay $0x2  }
0xba: {  	s31 =	sshll.u32 s1, $0xD;
	s1 =	sshrl.u32 s1, $0x2  }
0xbb: {  	s3 =	sand.u32 $0x4000, s31;
	s1 =	sadd.s32 s1, s30  }
0xbc: {  	s0 =	sor.u32 s3, s0;
	s1 =	sshll.u32 s1, $0x11  }
0xbd: {  	s0 =	sor.u32 s1, s0  }
0xbe: {  	s0 =	sadd.s32 $0x8F2B, s0  }
0xbf: {  	[sflag:s0] =	ssyncadd.remote.s32 $0x1  }
0xc0: {  	_ =	sfence.sel $0xFFFF  }
0xc1: {  	[dreg:$0x0] =	wrdreg $0xFFFFFFFF;
	(pc) =	sbr.abs _section_cstart, $3  }
0xc2: {  	[dreg:$0x1] =	wrdreg $0xFFFFFFFF  }
0xc3: {  	_ =	task.clear_ibuf [dreg:s8], $0x2FFFF;
	_ =	strace $0x9FFFFFFF  }
0xc4: {  	(tm) =	ssettm $0x7FFFFFFF  }
0xc5: {  	_ =	shalt  }
tec
execute0_lowered:
.L_overlay_start_1:
0x0: {  	(tag) =	ssettag $0x1  }
0x1: {  	s0 =	rddreg [dreg:$0x0]  }
0x2: {  	s2 =	rddreg [dreg:$0x1]  }
0x3: {  	s3 =	rddreg [dreg:$0x2]  }
0x4: {  	s1 =	srdreg.scid;
	s5 =	stileid.u32  }
0x5: {  	s4 =	simm.s32 $0x0;
	s16 =	simm.s32 $0x1400;
	s17 =	simm.s32 $0x1800  }
0x6: {  	s18 =	simm.s32 $0x5;
	s19 =	simm.s32 $0x400;
	s20 =	simm.s32 $0xC8000  }
0x7: {  	s21 =	simm.s32 $0x1C00;
	s28 =	simm.s32 $0x3;
	s29 =	simm.s32 $0x2  }
0x8: {  	s30 =	simm.s32 $0x4;
	s31 =	simm.s32 $0x0;
	s1 =	sand.u32 $0x1, s1  }
0x9: {  	s5 =	sshll.u32 s5, $0xB;
	[smem:$0x7FF] =	sst s4;
	s0 =	sadd.s32 $0x400, s0  }
0xa: {  	s11 =	sadd.s32 $0x1000, s3;
	s6 =	sshll.u32 s1, $0xA;
	s1 =	ssub.s32 $0x2, s1  }
0xb: {  	_ =	strace $0x80000047;
	s5 =	sor.u32 s6, s5;
	s22 =	sshrl.u32 s1, $0x1  }
0xc: {  	[dreg:$0x4] =	wrdreg s0;
	s7 =	sshrl.u32 s5, $0x3;
	s23 =	ssub.s32 s1, s22  }
0xd: {  	s9 =	sor.u32 $0x10000, s5;
	s10 =	sor.u32 $0x18000, s5;
	s24 =	sadd.s32 s2, s7  }
0xe: {  	s22 =	simm.s32 $0xE400;
	s0 =	smax.u32 s23, $0x1;
	[dreg:$0x5] =	wrdreg s24  }
0xf: {  	s25 =	sadd.s32 s7, s3;
	s1 =	sadd.s32 $0x1000, s24;
	[dreg:$0x9] =	wrdreg s0  }
0x10: {  	s23 =	simm.s32 $0x6;
	s26 =	sadd.s32 $0x18000, s25;
	[dreg:$0x6] =	wrdreg s1  }
0x11: {  	s24 =	simm.s32 $0x8000;
	[dreg:$0x7] =	wrdreg s26;
	s1 =	sadd.s32 $0x289000, s25  }
0x12: {  	s25 =	simm.s32 $0x14800;
	s26 =	simm.s32 $0x1;
	[dreg:$0x8] =	wrdreg s1  }
.LBB2_1:
0x13: {  	s0 =	rddreg [dreg:$0x4];
	s13 =	simm.s32 $0x7  }
0x14: {  	[tilespmem:s4], [sflag:$0x7] =	stream.linear.gather [hbm4b:s0+s4], $0x1400, $0x38;
	[tilespmem:$0x1AC00] =	vst v63  }
0x15: {  	_ =	swait.ge [sflag:s13], $0x1400  }
0x16: {  	[sflag:s13] =	ssyncset.done $0x0  }
0x17: {  	s14 =	rddreg [dreg:$0x5];
	[sflag:s13] =	ssyncadd.s32 $0xFFFFEC00  }
0x18: {  	[tilespmem:s16], [sflag:$0x5] =	stream.linear.gather [hbm4b:s14+s4], $0x400, $0x38;
	[tilespmem:$0x1AC00] =	vst v63  }
0x19: {  	s0 =	simm.s32 $0x0;
	s15 =	rddreg [dreg:$0x6]  }
0x1a: {  	[tilespmem:s17], [sflag:$0x6] =	stream.linear.gather [hbm4b:s15+s4], $0x400, $0x38;
	[tilespmem:$0x1AC00] =	vst v63  }
.LBB2_2:
0x1b: {  	_ =	swait.ge [sflag:s18], $0x400  }
0x1c: {  	p0 =	seq.s32 s0, $0x0;
	[sflag:s18] =	ssyncset.done $0x0  }
0x1d: {  	s1 =	simm.s32 @!p0 $0x1;
	[sflag:s18] =	ssyncadd.s32 $0xFFFFFC00  }
0x1e: {  	_ =	swait.ge @!p0 [sflag:s1], $0x6400  }
0x1f: {  	[sflag:s1] =	ssyncset.done @!p0 $0x0  }
0x20: {  	s14 =	simm.s32 $0x1400;
	[sflag:s1] =	ssyncadd.s32 @!p0 $0xFFFF9C00  }
0x21: {  	v0 =	vld [tilespmem:s14+$0x0];
	_ =	sdelay $0x4  }
0x22: {  	v0 =	vmul.u32 $0x32, v0;
	_ =	sdelay $0x1  }
0x23: {  	v1 =	vadd.s32 $0x18, v0  }
0x24: {  	v2 =	vor.u32 $0x1, v0  }
0x25: {  	v3 =	vadd.s32 $0x2, v0  }
0x26: {  	v4 =	vadd.s32 $0x3, v0  }
0x27: {  	v5 =	vadd.s32 $0x4, v0;
	v6 =	vld.idx.msk [tilespmem:v0+s4+$0x0], $0xffff  }
0x28: {  	v8 =	vadd.s32 $0x6, v0;
	v1 =	vld.idx.msk [tilespmem:v1+s4+$0x0], $0xffff  }
0x29: {  	v9 =	vadd.s32 $0x7, v0;
	v2 =	vld.idx.msk [tilespmem:v2+s4+$0x0], $0xffff  }
0x2a: {  	v7 =	vadd.s32 $0x5, v0;
	v3 =	vld.idx.msk [tilespmem:v3+s4+$0x0], $0xffff  }
0x2b: {  	v10 =	vadd.s32 $0x8, v0;
	v4 =	vld.idx.msk [tilespmem:v4+s4+$0x0], $0xffff  }
0x2c: {  	s15 =	simm.s32 $0x0;
	s6 =	simm.s32 $0x1C00;
	v11 =	vadd.s32 $0x9, v0;
	v5 =	vld.idx.msk [tilespmem:v5+s4+$0x0], $0xffff  }
0x2d: {  	s8 =	sand.u32 $0x3F0, s15;
	v12 =	vadd.s32 $0xA, v0;
	v13 =	vld.idx.msk [tilespmem:v8+s4+$0x0], $0xffff;
	[tilespmem:s6+$0x0] =	vst v6  }
0x2e: {  	v15 =	vadd.s32 $0xD, v0;
	v14 =	vld.idx.msk [tilespmem:v9+s4+$0x0], $0xffff;
	[tilespmem:s8+$0x7C00] =	vst v1  }
0x2f: {  	v6 =	vld.idx.msk [tilespmem:v7+s4+$0x0], $0xffff;
	v7 =	vadd.s32 $0xB, v0;
	[tilespmem:s8+$0x2000] =	vst v2  }
0x30: {  	v16 =	vld.idx.msk [tilespmem:v10+s4+$0x0], $0xffff;
	v1 =	vadd.s32 $0xC, v0;
	[tilespmem:s8+$0x2400] =	vst v3  }
0x31: {  	v10 =	vld.idx.msk [tilespmem:v11+s4+$0x0], $0xffff;
	[tilespmem:s8+$0x2800] =	vst v4  }
0x32: {  	v11 =	vld.idx.msk [tilespmem:v12+s4+$0x0], $0xffff;
	v8 =	vadd.s32 $0xE, v0;
	[tilespmem:s8+$0x2C00] =	vst v5  }
0x33: {  	v9 =	vadd.s32 $0xF, v0;
	[tilespmem:s8+$0x3800] =	vst v14;
	v14 =	vld.idx.msk [tilespmem:v15+s4+$0x0], $0xffff  }
0x34: {  	v4 =	vadd.s32 $0x11, v0;
	[tilespmem:s8+$0x3400] =	vst v13;
	v12 =	vld.idx.msk [tilespmem:v7+s4+$0x0], $0xffff;
	v7 =	vadd.s32 $0x10, v0  }
0x35: {  	s13 =	simm.s32 $0x1410;
	v5 =	vadd.s32 $0x13, v0;
	v2 =	vadd.s32 $0x14, v0;
	v3 =	vadd.s32 $0x15, v0;
	[tilespmem:s8+$0x3C00] =	vst v16;
	v13 =	vld.idx.msk [tilespmem:v1+s4+$0x0], $0xffff  }
0x36: {  	s12 =	simm.s32 $0x10;
	s7 =	simm.s32 $0x20;
	s1 =	sshll.u32 s0, $0x10;
	v15 =	vld [tilespmem:s13+$0x0];
	[tilespmem:s8+$0x3000] =	vst v6;
	v6 =	vadd.s32 $0x12, v0;
	v1 =	vadd.s32 $0x16, v0;
	v0 =	vadd.s32 $0x17, v0  }
.LBB2_3:
0x37: {  	p1 =	sne.s32 s7, $0x3F0;
	[tilespmem:s8+$0x4000] =	vst v10;
	v8 =	vld.idx.msk [tilespmem:v8+s4+$0x0], $0xffff  }
0x38: {  	[tilespmem:s8+$0x4400] =	vst v11;
	v9 =	vld.idx.msk [tilespmem:v9+s4+$0x0], $0xffff  }
0x39: {  	[tilespmem:s8+$0x4800] =	vst v12;
	v7 =	vld.idx.msk [tilespmem:v7+s4+$0x0], $0xffff  }
0x3a: {  	[tilespmem:s8+$0x4C00] =	vst v13;
	v4 =	vld.idx.msk [tilespmem:v4+s4+$0x0], $0xffff  }
0x3b: {  	v10 =	vmul.u32 $0x32, v15;
	[tilespmem:s8+$0x5000] =	vst v14;
	v6 =	vld.idx.msk [tilespmem:v6+s4+$0x0], $0xffff  }
0x3c: {  	v5 =	vld.idx.msk [tilespmem:v5+s4+$0x0], $0xffff  }
0x3d: {  	v11 =	vor.u32 $0x1, v10;
	v12 =	vadd.s32 $0x2, v10;
	v13 =	vadd.s32 $0x18, v10;
	[tilespmem:s8+$0x5400] =	vst v8;
	v14 =	vld.idx.msk [tilespmem:v2+s4+$0x0], $0xffff  }
0x3e: {  	v15 =	vadd.s32 $0x3, v10;
	v16 =	vadd.s32 $0x4, v10;
	v17 =	vadd.s32 $0x5, v10;
	[tilespmem:s8+$0x5800] =	vst v9;
	v18 =	vld.idx.msk [tilespmem:v3+s4+$0x0], $0xffff  }
0x3f: {  	v19 =	vadd.s32 $0x6, v10;
	v20 =	vadd.s32 $0x7, v10;
	v21 =	vadd.s32 $0x8, v10;
	[tilespmem:s8+$0x5C00] =	vst v7;
	v22 =	vld.idx.msk [tilespmem:v1+s4+$0x0], $0xffff  }
0x40: {  	v23 =	vadd.s32 $0x9, v10;
	v24 =	vadd.s32 $0xA, v10;
	v25 =	vadd.s32 $0xB, v10;
	[tilespmem:s8+$0x6000] =	vst v4;
	v26 =	vld.idx.msk [tilespmem:v0+s4+$0x0], $0xffff  }
0x41: {  	v28 =	vadd.s32 $0xC, v10;
	v29 =	vadd.s32 $0xD, v10;
	v8 =	vadd.s32 $0xE, v10;
	v27 =	vld.idx.msk [tilespmem:v10+s4+$0x0], $0xffff;
	[tilespmem:s8+$0x6400] =	vst v6  }
0x42: {  	v9 =	vadd.s32 $0xF, v10;
	v7 =	vadd.s32 $0x10, v10;
	v4 =	vadd.s32 $0x11, v10;
	v13 =	vld.idx.msk [tilespmem:v13+s4+$0x0], $0xffff;
	[tilespmem:s8+$0x6800] =	vst v5  }
0x43: {  	v2 =	vadd.s32 $0x14, v10;
	v6 =	vadd.s32 $0x12, v10;
	v5 =	vadd.s32 $0x13, v10;
	v11 =	vld.idx.msk [tilespmem:v11+s4+$0x0], $0xffff;
	[tilespmem:s8+$0x6C00] =	vst v14  }
0x44: {  	v3 =	vadd.s32 $0x15, v10;
	v1 =	vadd.s32 $0x16, v10;
	v0 =	vadd.s32 $0x17, v10;
	v12 =	vld.idx.msk [tilespmem:v12+s4+$0x0], $0xffff;
	[tilespmem:s8+$0x7000] =	vst v18  }
0x45: {  	v10 =	vld.idx.msk [tilespmem:v15+s4+$0x0], $0xffff;
	[tilespmem:s8+$0x7400] =	vst v22  }
0x46: {  	s6 =	sadd.s32 $0x10, s6;
	v14 =	vld.idx.msk [tilespmem:v16+s4+$0x0], $0xffff;
	[tilespmem:s8+$0x7800] =	vst v26  }
0x47: {  	s8 =	sand.u32 $0x3F0, s12;
	s12 =	smov.u32 s7;
	[tilespmem:s6+$0x0] =	vst v27;
	v15 =	vld.idx.msk [tilespmem:v17+s4+$0x0], $0xffff  }
0x48: {  	v16 =	vld.idx.msk [tilespmem:v19+s4+$0x0], $0xffff;
	[tilespmem:s8+$0x7C00] =	vst v13  }
0x49: {  	[tilespmem:s8+$0x2000] =	vst v11;
	v17 =	vld.idx.msk [tilespmem:v20+s4+$0x0], $0xffff  }
0x4a: {  	[tilespmem:s8+$0x2400] =	vst v12;
	v18 =	vld.idx.msk [tilespmem:v21+s4+$0x0], $0xffff  }
0x4b: {  	[tilespmem:s8+$0x2800] =	vst v10;
	v10 =	vld.idx.msk [tilespmem:v23+s4+$0x0], $0xffff  }
.Ltmp0:
0x4c: {  	[tilespmem:s8+$0x2C00] =	vst v14;
	v11 =	vld.idx.msk [tilespmem:v24+s4+$0x0], $0xffff;
	(pc) =	sbr.rel @p1 .LBB2_3-.Ltmp0, $4  }
0x4d: {  	[tilespmem:s8+$0x3000] =	vst v15;
	v12 =	vld.idx.msk [tilespmem:v25+s4+$0x0], $0xffff  }
0x4e: {  	[tilespmem:s8+$0x3400] =	vst v16;
	v13 =	vld.idx.msk [tilespmem:v28+s4+$0x0], $0xffff  }
0x4f: {  	s13 =	sadd.s32 $0x10, s13;
	[tilespmem:s8+$0x3800] =	vst v17;
	v14 =	vld.idx.msk [tilespmem:v29+s4+$0x0], $0xffff  }
0x50: {  	s7 =	sadd.s32 $0x10, s7;
	v15 =	vld [tilespmem:s13+$0x0];
	[tilespmem:s8+$0x3C00] =	vst v18  }
0x51: {  	_ =	sdelay $0x3  }
0x52: {  	[tilespmem:s8+$0x4000] =	vst v10;
	v8 =	vld.idx.msk [tilespmem:v8+s4+$0x0], $0xffff  }
0x53: {  	[tilespmem:s8+$0x4400] =	vst v11;
	v9 =	vld.idx.msk [tilespmem:v9+s4+$0x0], $0xffff  }
0x54: {  	v7 =	vld.idx.msk [tilespmem:v7+s4+$0x0], $0xffff;
	[tilespmem:s8+$0x4800] =	vst v12  }
0x55: {  	v4 =	vld.idx.msk [tilespmem:v4+s4+$0x0], $0xffff;
	[tilespmem:s8+$0x4C00] =	vst v13  }
0x56: {  	v6 =	vld.idx.msk [tilespmem:v6+s4+$0x0], $0xffff;
	[tilespmem:s8+$0x5000] =	vst v14;
	v10 =	vmul.u32 $0x32, v15  }
0x57: {  	v5 =	vld.idx.msk [tilespmem:v5+s4+$0x0], $0xffff;
	[tilespmem:s8+$0x5400] =	vst v8  }
0x58: {  	v2 =	vld.idx.msk [tilespmem:v2+s4+$0x0], $0xffff;
	[tilespmem:s8+$0x5800] =	vst v9;
	v8 =	vadd.s32 $0x18, v10  }
0x59: {  	v3 =	vld.idx.msk [tilespmem:v3+s4+$0x0], $0xffff;
	[tilespmem:s8+$0x5C00] =	vst v7;
	v9 =	vor.u32 $0x1, v10  }
0x5a: {  	v1 =	vld.idx.msk [tilespmem:v1+s4+$0x0], $0xffff;
	[tilespmem:s8+$0x6000] =	vst v4;
	v7 =	vadd.s32 $0x2, v10  }
0x5b: {  	v0 =	vld.idx.msk [tilespmem:v0+s4+$0x0], $0xffff;
	[tilespmem:s8+$0x6400] =	vst v6;
	v4 =	vadd.s32 $0x3, v10  }
0x5c: {  	[tilespmem:s8+$0x6800] =	vst v5;
	v6 =	vadd.s32 $0x4, v10;
	v11 =	vld.idx.msk [tilespmem:v10+s4+$0x0], $0xffff  }
0x5d: {  	[tilespmem:s8+$0x6C00] =	vst v2;
	v5 =	vadd.s32 $0x5, v10;
	v8 =	vld.idx.msk [tilespmem:v8+s4+$0x0], $0xffff  }
0x5e: {  	[tilespmem:s8+$0x7000] =	vst v3;
	v2 =	vadd.s32 $0x6, v10;
	v9 =	vld.idx.msk [tilespmem:v9+s4+$0x0], $0xffff  }
0x5f: {  	[tilespmem:s8+$0x7400] =	vst v1;
	v3 =	vadd.s32 $0x7, v10;
	v7 =	vld.idx.msk [tilespmem:v7+s4+$0x0], $0xffff  }
0x60: {  	s6 =	sadd.s32 $0x10, s6;
	[tilespmem:s8+$0x7800] =	vst v0;
	v1 =	vadd.s32 $0x8, v10;
	v4 =	vld.idx.msk [tilespmem:v4+s4+$0x0], $0xffff  }
0x61: {  	s13 =	sand.u32 $0x3F0, s12;
	v0 =	vadd.s32 $0x9, v10;
	v6 =	vld.idx.msk [tilespmem:v6+s4+$0x0], $0xffff;
	[tilespmem:s6+$0x0] =	vst v11  }
0x62: {  	v5 =	vld.idx.msk [tilespmem:v5+s4+$0x0], $0xffff;
	v11 =	vadd.s32 $0xA, v10;
	[tilespmem:s13+$0x7C00] =	vst v8  }
0x63: {  	v2 =	vld.idx.msk [tilespmem:v2+s4+$0x0], $0xffff;
	v8 =	vadd.s32 $0xB, v10;
	[tilespmem:s13+$0x2000] =	vst v9  }
0x64: {  	v3 =	vld.idx.msk [tilespmem:v3+s4+$0x0], $0xffff;
	v9 =	vadd.s32 $0xC, v10;
	[tilespmem:s13+$0x2400] =	vst v7  }
0x65: {  	v1 =	vld.idx.msk [tilespmem:v1+s4+$0x0], $0xffff;
	v7 =	vadd.s32 $0xD, v10;
	[tilespmem:s13+$0x2800] =	vst v4  }
0x66: {  	v0 =	vld.idx.msk [tilespmem:v0+s4+$0x0], $0xffff;
	v4 =	vadd.s32 $0xE, v10;
	[tilespmem:s13+$0x2C00] =	vst v6  }
0x67: {  	v6 =	vadd.s32 $0xF, v10;
	[tilespmem:s13+$0x3000] =	vst v5;
	v11 =	vld.idx.msk [tilespmem:v11+s4+$0x0], $0xffff  }
0x68: {  	v5 =	vadd.s32 $0x10, v10;
	[tilespmem:s13+$0x3400] =	vst v2;
	v8 =	vld.idx.msk [tilespmem:v8+s4+$0x0], $0xffff  }
0x69: {  	v2 =	vadd.s32 $0x11, v10;
	[tilespmem:s13+$0x3800] =	vst v3;
	v9 =	vld.idx.msk [tilespmem:v9+s4+$0x0], $0xffff  }
0x6a: {  	v3 =	vadd.s32 $0x12, v10;
	[tilespmem:s13+$0x3C00] =	vst v1;
	v7 =	vld.idx.msk [tilespmem:v7+s4+$0x0], $0xffff  }
0x6b: {  	v1 =	vadd.s32 $0x13, v10;
	[tilespmem:s13+$0x4000] =	vst v0;
	v0 =	vld.idx.msk [tilespmem:v4+s4+$0x0], $0xffff  }
0x6c: {  	v4 =	vadd.s32 $0x14, v10;
	v6 =	vld.idx.msk [tilespmem:v6+s4+$0x0], $0xffff;
	[tilespmem:s13+$0x4400] =	vst v11  }
0x6d: {  	v5 =	vld.idx.msk [tilespmem:v5+s4+$0x0], $0xffff;
	v11 =	vadd.s32 $0x15, v10;
	[tilespmem:s13+$0x4800] =	vst v8  }
0x6e: {  	v2 =	vld.idx.msk [tilespmem:v2+s4+$0x0], $0xffff;
	v8 =	vadd.s32 $0x16, v10;
	[tilespmem:s13+$0x4C00] =	vst v9  }
0x6f: {  	v3 =	vld.idx.msk [tilespmem:v3+s4+$0x0], $0xffff;
	v9 =	vadd.s32 $0x17, v10;
	[tilespmem:s13+$0x5000] =	vst v7  }
0x70: {  	v1 =	vld.idx.msk [tilespmem:v1+s4+$0x0], $0xffff;
	[tilespmem:s13+$0x5400] =	vst v0  }
0x71: {  	v0 =	vld.idx.msk [tilespmem:v4+s4+$0x0], $0xffff;
	[tilespmem:s13+$0x5800] =	vst v6  }
0x72: {  	[tilespmem:s13+$0x5C00] =	vst v5;
	v4 =	vld.idx.msk [tilespmem:v11+s4+$0x0], $0xffff  }
0x73: {  	[tilespmem:s13+$0x6000] =	vst v2;
	v5 =	vld.idx.msk [tilespmem:v8+s4+$0x0], $0xffff  }
0x74: {  	[tilespmem:s13+$0x6400] =	vst v3;
	v2 =	vld.idx.msk [tilespmem:v9+s4+$0x0], $0xffff  }
0x75: {  	[tilespmem:s13+$0x6800] =	vst v1  }
0x76: {  	[tilespmem:s13+$0x6C00] =	vst v0  }
0x77: {  	s7 =	sor.u32 s5, s1;
	[tilespmem:s13+$0x7000] =	vst v4  }
0x78: {  	s8 =	sshrl.u32 s7, $0x3;
	[tilespmem:s13+$0x7400] =	vst v5  }
0x79: {  	s7 =	simm.s32 @!p0 $0x3;
	s6 =	sadd.s32 s3, s8;
	[tilespmem:s13+$0x7800] =	vst v2  }
0x7a: {  	[hbm4b:s6+s19] =	stream.strided.scatter [tilespmem:s21], [sflag:$0x1], $0x6400, s20, s19, $0x38;
	[tilespmem:$0x1AC00] =	vst v63  }
0x7b: {  	_ =	swait.ge @!p0 [sflag:s7], $0x6400  }
0x7c: {  	[sflag:s7] =	ssyncset.done @!p0 $0x0  }
0x7d: {  	s14 =	simm.s32 $0x1400;
	[sflag:s7] =	ssyncadd.s32 @!p0 $0xFFFF9C00  }
0x7e: {  	v0 =	vld [tilespmem:s14+$0x0];
	_ =	sdelay $0x4  }
0x7f: {  	v0 =	vmul.u32 $0x32, v0;
	_ =	sdelay $0x1  }
0x80: {  	v1 =	vadd.s32 $0x31, v0  }
0x81: {  	v2 =	vadd.s32 $0x19, v0  }
0x82: {  	v3 =	vadd.s32 $0x1A, v0  }
0x83: {  	s7 =	simm.s32 $0x1410;
	v4 =	vadd.s32 $0x1B, v0  }
0x84: {  	v16 =	vld [tilespmem:s7+$0x0];
	v5 =	vadd.s32 $0x1C, v0  }
0x85: {  	v6 =	vadd.s32 $0x1D, v0;
	v1 =	vld.idx.msk [tilespmem:v1+s4+$0x0], $0xffff  }
0x86: {  	v7 =	vadd.s32 $0x1E, v0;
	v2 =	vld.idx.msk [tilespmem:v2+s4+$0x0], $0xffff  }
0x87: {  	v9 =	vadd.s32 $0x20, v0;
	v3 =	vld.idx.msk [tilespmem:v3+s4+$0x0], $0xffff  }
0x88: {  	s15 =	simm.s32 $0x0;
	v8 =	vadd.s32 $0x1F, v0;
	v4 =	vld.idx.msk [tilespmem:v4+s4+$0x0], $0xffff  }
0x89: {  	s13 =	sand.u32 $0x3F0, s15;
	v10 =	vadd.s32 $0x21, v0;
	v5 =	vld.idx.msk [tilespmem:v5+s4+$0x0], $0xffff  }
0x8a: {  	s12 =	simm.s32 $0xE400;
	v12 =	vadd.s32 $0x22, v0;
	v6 =	vld.idx.msk [tilespmem:v6+s4+$0x0], $0xffff;
	[tilespmem:s13+$0x14400] =	vst v1  }
0x8b: {  	v13 =	vadd.s32 $0x23, v0;
	v7 =	vld.idx.msk [tilespmem:v7+s4+$0x0], $0xffff;
	[tilespmem:s12+$0x0] =	vst v2  }
0x8c: {  	v17 =	vld.idx.msk [tilespmem:v9+s4+$0x0], $0xffff;
	v1 =	vadd.s32 $0x24, v0;
	[tilespmem:s13+$0xE800] =	vst v3  }
0x8d: {  	v15 =	vadd.s32 $0x25, v0;
	v2 =	vld.idx.msk [tilespmem:v8+s4+$0x0], $0xffff;
	[tilespmem:s13+$0xEC00] =	vst v4  }
0x8e: {  	v11 =	vld.idx.msk [tilespmem:v10+s4+$0x0], $0xffff;
	v9 =	vadd.s32 $0x26, v0;
	[tilespmem:s13+$0xF000] =	vst v5  }
0x8f: {  	v12 =	vld.idx.msk [tilespmem:v12+s4+$0x0], $0xffff;
	v10 =	vadd.s32 $0x27, v0;
	[tilespmem:s13+$0xF400] =	vst v6  }
0x90: {  	v13 =	vld.idx.msk [tilespmem:v13+s4+$0x0], $0xffff;
	v8 =	vadd.s32 $0x28, v0;
	v6 =	vadd.s32 $0x29, v0;
	v5 =	vadd.s32 $0x2A, v0;
	[tilespmem:s13+$0xF800] =	vst v7  }
0x91: {  	v7 =	vadd.s32 $0x2B, v0;
	v4 =	vadd.s32 $0x2C, v0;
	v3 =	vadd.s32 $0x2D, v0;
	[tilespmem:s13+$0x10000] =	vst v17;
	v14 =	vld.idx.msk [tilespmem:v1+s4+$0x0], $0xffff  }
0x92: {  	s15 =	simm.s32 $0x20;
	s14 =	simm.s32 $0x10;
	v15 =	vld.idx.msk [tilespmem:v15+s4+$0x0], $0xffff;
	[tilespmem:s13+$0xFC00] =	vst v2;
	v2 =	vadd.s32 $0x2E, v0;
	v1 =	vadd.s32 $0x2F, v0;
	v0 =	vadd.s32 $0x30, v0  }
.LBB2_5:
0x93: {  	p1 =	sne.s32 s15, $0x3F0;
	[tilespmem:s13+$0x10400] =	vst v11;
	v9 =	vld.idx.msk [tilespmem:v9+s4+$0x0], $0xffff  }
0x94: {  	[tilespmem:s13+$0x10800] =	vst v12;
	v10 =	vld.idx.msk [tilespmem:v10+s4+$0x0], $0xffff  }
0x95: {  	[tilespmem:s13+$0x10C00] =	vst v13;
	v8 =	vld.idx.msk [tilespmem:v8+s4+$0x0], $0xffff  }
0x96: {  	[tilespmem:s13+$0x11000] =	vst v14;
	v6 =	vld.idx.msk [tilespmem:v6+s4+$0x0], $0xffff  }
0x97: {  	v11 =	vmul.u32 $0x32, v16;
	[tilespmem:s13+$0x11400] =	vst v15;
	v5 =	vld.idx.msk [tilespmem:v5+s4+$0x0], $0xffff  }
0x98: {  	v7 =	vld.idx.msk [tilespmem:v7+s4+$0x0], $0xffff  }
0x99: {  	v12 =	vadd.s32 $0x19, v11;
	v13 =	vadd.s32 $0x1A, v11;
	v14 =	vadd.s32 $0x31, v11;
	[tilespmem:s13+$0x11800] =	vst v9;
	v15 =	vld.idx.msk [tilespmem:v4+s4+$0x0], $0xffff  }
0x9a: {  	v16 =	vadd.s32 $0x1B, v11;
	v17 =	vadd.s32 $0x1C, v11;
	v18 =	vadd.s32 $0x1D, v11;
	[tilespmem:s13+$0x11C00] =	vst v10;
	v19 =	vld.idx.msk [tilespmem:v3+s4+$0x0], $0xffff  }
0x9b: {  	v20 =	vadd.s32 $0x1E, v11;
	v21 =	vadd.s32 $0x1F, v11;
	v22 =	vadd.s32 $0x20, v11;
	[tilespmem:s13+$0x12000] =	vst v8;
	v23 =	vld.idx.msk [tilespmem:v2+s4+$0x0], $0xffff  }
0x9c: {  	v24 =	vadd.s32 $0x21, v11;
	v25 =	vadd.s32 $0x22, v11;
	v26 =	vadd.s32 $0x23, v11;
	[tilespmem:s13+$0x12400] =	vst v6;
	v27 =	vld.idx.msk [tilespmem:v1+s4+$0x0], $0xffff  }
0x9d: {  	v28 =	vadd.s32 $0x24, v11;
	v29 =	vadd.s32 $0x25, v11;
	v9 =	vadd.s32 $0x26, v11;
	[tilespmem:s13+$0x12800] =	vst v5;
	v30 =	vld.idx.msk [tilespmem:v0+s4+$0x0], $0xffff  }
0x9e: {  	v10 =	vadd.s32 $0x27, v11;
	v8 =	vadd.s32 $0x28, v11;
	v6 =	vadd.s32 $0x29, v11;
	v14 =	vld.idx.msk [tilespmem:v14+s4+$0x0], $0xffff;
	[tilespmem:s13+$0x12C00] =	vst v7  }
0x9f: {  	v4 =	vadd.s32 $0x2C, v11;
	v5 =	vadd.s32 $0x2A, v11;
	v7 =	vadd.s32 $0x2B, v11;
	v12 =	vld.idx.msk [tilespmem:v12+s4+$0x0], $0xffff;
	[tilespmem:s13+$0x13000] =	vst v15  }
0xa0: {  	v3 =	vadd.s32 $0x2D, v11;
	v2 =	vadd.s32 $0x2E, v11;
	v1 =	vadd.s32 $0x2F, v11;
	v13 =	vld.idx.msk [tilespmem:v13+s4+$0x0], $0xffff;
	[tilespmem:s13+$0x13400] =	vst v19  }
0xa1: {  	v0 =	vadd.s32 $0x30, v11;
	v15 =	vld.idx.msk [tilespmem:v16+s4+$0x0], $0xffff;
	[tilespmem:s13+$0x13800] =	vst v23  }
0xa2: {  	v16 =	vld.idx.msk [tilespmem:v17+s4+$0x0], $0xffff;
	[tilespmem:s13+$0x13C00] =	vst v27  }
0xa3: {  	v17 =	vld.idx.msk [tilespmem:v18+s4+$0x0], $0xffff;
	[tilespmem:s13+$0x14000] =	vst v30;
	s13 =	sand.u32 $0x3F0, s14;
	s14 =	smov.u32 s15  }
0xa4: {  	s12 =	sadd.s32 $0x10, s12;
	v18 =	vld.idx.msk [tilespmem:v20+s4+$0x0], $0xffff;
	[tilespmem:s13+$0x14400] =	vst v14  }
0xa5: {  	[tilespmem:s12+$0x0] =	vst v12;
	v19 =	vld.idx.msk [tilespmem:v21+s4+$0x0], $0xffff  }
0xa6: {  	[tilespmem:s13+$0xE800] =	vst v13;
	v20 =	vld.idx.msk [tilespmem:v22+s4+$0x0], $0xffff  }
0xa7: {  	[tilespmem:s13+$0xEC00] =	vst v15;
	v11 =	vld.idx.msk [tilespmem:v24+s4+$0x0], $0xffff  }
.Ltmp1:
0xa8: {  	[tilespmem:s13+$0xF000] =	vst v16;
	v12 =	vld.idx.msk [tilespmem:v25+s4+$0x0], $0xffff;
	(pc) =	sbr.rel @p1 .LBB2_5-.Ltmp1, $4  }
0xa9: {  	[tilespmem:s13+$0xF400] =	vst v17;
	v13 =	vld.idx.msk [tilespmem:v26+s4+$0x0], $0xffff  }
0xaa: {  	[tilespmem:s13+$0xF800] =	vst v18;
	v14 =	vld.idx.msk [tilespmem:v28+s4+$0x0], $0xffff  }
0xab: {  	s7 =	sadd.s32 $0x10, s7;
	[tilespmem:s13+$0xFC00] =	vst v19;
	v15 =	vld.idx.msk [tilespmem:v29+s4+$0x0], $0xffff  }
0xac: {  	s15 =	sadd.s32 $0x10, s15;
	v16 =	vld [tilespmem:s7+$0x0];
	[tilespmem:s13+$0x10000] =	vst v20  }
0xad: {  	_ =	sdelay $0x3  }
0xae: {  	[tilespmem:s13+$0x10400] =	vst v11;
	v9 =	vld.idx.msk [tilespmem:v9+s4+$0x0], $0xffff  }
0xaf: {  	[tilespmem:s13+$0x10800] =	vst v12;
	v10 =	vld.idx.msk [tilespmem:v10+s4+$0x0], $0xffff  }
0xb0: {  	v8 =	vld.idx.msk [tilespmem:v8+s4+$0x0], $0xffff;
	[tilespmem:s13+$0x10C00] =	vst v13  }
0xb1: {  	v6 =	vld.idx.msk [tilespmem:v6+s4+$0x0], $0xffff;
	[tilespmem:s13+$0x11000] =	vst v14  }
0xb2: {  	v5 =	vld.idx.msk [tilespmem:v5+s4+$0x0], $0xffff;
	[tilespmem:s13+$0x11400] =	vst v15;
	v11 =	vmul.u32 $0x32, v16  }
0xb3: {  	v7 =	vld.idx.msk [tilespmem:v7+s4+$0x0], $0xffff;
	[tilespmem:s13+$0x11800] =	vst v9  }
0xb4: {  	v4 =	vld.idx.msk [tilespmem:v4+s4+$0x0], $0xffff;
	[tilespmem:s13+$0x11C00] =	vst v10;
	v9 =	vadd.s32 $0x31, v11  }
0xb5: {  	v3 =	vld.idx.msk [tilespmem:v3+s4+$0x0], $0xffff;
	[tilespmem:s13+$0x12000] =	vst v8;
	v10 =	vadd.s32 $0x19, v11  }
0xb6: {  	v2 =	vld.idx.msk [tilespmem:v2+s4+$0x0], $0xffff;
	[tilespmem:s13+$0x12400] =	vst v6;
	v8 =	vadd.s32 $0x1A, v11  }
0xb7: {  	v1 =	vld.idx.msk [tilespmem:v1+s4+$0x0], $0xffff;
	[tilespmem:s13+$0x12800] =	vst v5;
	v6 =	vadd.s32 $0x1B, v11  }
0xb8: {  	v0 =	vld.idx.msk [tilespmem:v0+s4+$0x0], $0xffff;
	[tilespmem:s13+$0x12C00] =	vst v7;
	v5 =	vadd.s32 $0x1C, v11  }
0xb9: {  	[tilespmem:s13+$0x13000] =	vst v4;
	v7 =	vadd.s32 $0x1D, v11;
	v9 =	vld.idx.msk [tilespmem:v9+s4+$0x0], $0xffff  }
0xba: {  	[tilespmem:s13+$0x13400] =	vst v3;
	v4 =	vadd.s32 $0x1E, v11;
	v10 =	vld.idx.msk [tilespmem:v10+s4+$0x0], $0xffff  }
0xbb: {  	[tilespmem:s13+$0x13800] =	vst v2;
	v3 =	vadd.s32 $0x1F, v11;
	v8 =	vld.idx.msk [tilespmem:v8+s4+$0x0], $0xffff  }
0xbc: {  	[tilespmem:s13+$0x13C00] =	vst v1;
	v2 =	vadd.s32 $0x20, v11;
	v6 =	vld.idx.msk [tilespmem:v6+s4+$0x0], $0xffff  }
0xbd: {  	s7 =	sand.u32 $0x3F0, s14;
	[tilespmem:s13+$0x14000] =	vst v0;
	v1 =	vadd.s32 $0x21, v11;
	v5 =	vld.idx.msk [tilespmem:v5+s4+$0x0], $0xffff  }
0xbe: {  	s12 =	sadd.s32 $0x10, s12;
	v0 =	vadd.s32 $0x22, v11;
	v7 =	vld.idx.msk [tilespmem:v7+s4+$0x0], $0xffff;
	[tilespmem:s7+$0x14400] =	vst v9  }
0xbf: {  	v4 =	vld.idx.msk [tilespmem:v4+s4+$0x0], $0xffff;
	v9 =	vadd.s32 $0x23, v11;
	[tilespmem:s12+$0x0] =	vst v10  }
0xc0: {  	v3 =	vld.idx.msk [tilespmem:v3+s4+$0x0], $0xffff;
	v10 =	vadd.s32 $0x24, v11;
	[tilespmem:s7+$0xE800] =	vst v8  }
0xc1: {  	v2 =	vld.idx.msk [tilespmem:v2+s4+$0x0], $0xffff;
	v8 =	vadd.s32 $0x25, v11;
	[tilespmem:s7+$0xEC00] =	vst v6  }
0xc2: {  	v1 =	vld.idx.msk [tilespmem:v1+s4+$0x0], $0xffff;
	v6 =	vadd.s32 $0x26, v11;
	[tilespmem:s7+$0xF000] =	vst v5  }
0xc3: {  	v0 =	vld.idx.msk [tilespmem:v0+s4+$0x0], $0xffff;
	v5 =	vadd.s32 $0x27, v11;
	[tilespmem:s7+$0xF400] =	vst v7  }
0xc4: {  	v7 =	vadd.s32 $0x28, v11;
	[tilespmem:s7+$0xF800] =	vst v4;
	v9 =	vld.idx.msk [tilespmem:v9+s4+$0x0], $0xffff  }
0xc5: {  	v4 =	vadd.s32 $0x29, v11;
	[tilespmem:s7+$0xFC00] =	vst v3;
	v10 =	vld.idx.msk [tilespmem:v10+s4+$0x0], $0xffff  }
0xc6: {  	v3 =	vadd.s32 $0x2A, v11;
	[tilespmem:s7+$0x10000] =	vst v2;
	v8 =	vld.idx.msk [tilespmem:v8+s4+$0x0], $0xffff  }
0xc7: {  	v2 =	vadd.s32 $0x2B, v11;
	[tilespmem:s7+$0x10400] =	vst v1;
	v1 =	vld.idx.msk [tilespmem:v6+s4+$0x0], $0xffff  }
0xc8: {  	[tilespmem:s7+$0x10800] =	vst v0;
	v6 =	vadd.s32 $0x2C, v11;
	v0 =	vld.idx.msk [tilespmem:v5+s4+$0x0], $0xffff  }
0xc9: {  	v5 =	vadd.s32 $0x2D, v11;
	v7 =	vld.idx.msk [tilespmem:v7+s4+$0x0], $0xffff;
	[tilespmem:s7+$0x10C00] =	vst v9  }
0xca: {  	v4 =	vld.idx.msk [tilespmem:v4+s4+$0x0], $0xffff;
	v9 =	vadd.s32 $0x2E, v11;
	[tilespmem:s7+$0x11000] =	vst v10  }
0xcb: {  	v3 =	vld.idx.msk [tilespmem:v3+s4+$0x0], $0xffff;
	v10 =	vadd.s32 $0x2F, v11;
	[tilespmem:s7+$0x11400] =	vst v8  }
0xcc: {  	v2 =	vld.idx.msk [tilespmem:v2+s4+$0x0], $0xffff;
	v8 =	vadd.s32 $0x30, v11;
	[tilespmem:s7+$0x11800] =	vst v1  }
0xcd: {  	v1 =	vld.idx.msk [tilespmem:v6+s4+$0x0], $0xffff;
	[tilespmem:s7+$0x11C00] =	vst v0  }
0xce: {  	v0 =	vld.idx.msk [tilespmem:v5+s4+$0x0], $0xffff;
	[tilespmem:s7+$0x12000] =	vst v7  }
0xcf: {  	[tilespmem:s7+$0x12400] =	vst v4;
	v5 =	vld.idx.msk [tilespmem:v9+s4+$0x0], $0xffff  }
0xd0: {  	[tilespmem:s7+$0x12800] =	vst v3;
	v4 =	vld.idx.msk [tilespmem:v10+s4+$0x0], $0xffff  }
0xd1: {  	[tilespmem:s7+$0x12C00] =	vst v2;
	v3 =	vld.idx.msk [tilespmem:v8+s4+$0x0], $0xffff  }
0xd2: {  	[tilespmem:s7+$0x13000] =	vst v1  }
0xd3: {  	[tilespmem:s7+$0x13400] =	vst v0  }
0xd4: {  	[tilespmem:s7+$0x13800] =	vst v5  }
0xd5: {  	s13 =	sadd.s32 s9, s1;
	[tilespmem:s7+$0x13C00] =	vst v4  }
0xd6: {  	s12 =	sadd.s32 $0x271000, s6;
	[tilespmem:s7+$0x14000] =	vst v3;
	s7 =	sshrl.u32 s13, $0x3  }
0xd7: {  	[hbm4b:s12+s19] =	stream.strided.scatter [tilespmem:s22], [sflag:$0x3], $0x6400, s20, s19, $0x38;
	[tilespmem:$0x1AC00] =	vst v63  }
0xd8: {  	s7 =	sadd.s32 s2, s7  }
0xd9: {  	[tilespmem:s16], [sflag:$0x5] =	stream.linear.gather [hbm4b:s7+s4], $0x400, $0x38;
	[tilespmem:$0x1AC00] =	vst v63  }
0xda: {  	_ =	swait.ge [sflag:s23], $0x400  }
0xdb: {  	[sflag:s23] =	ssyncset.done $0x0  }
0xdc: {  	s7 =	simm.s32 @!p0 $0x2;
	[sflag:s23] =	ssyncadd.s32 $0xFFFFFC00  }
0xdd: {  	_ =	swait.ge @!p0 [sflag:s7], $0x6400  }
0xde: {  	[sflag:s7] =	ssyncset.done @!p0 $0x0  }
0xdf: {  	s14 =	simm.s32 $0x1800;
	[sflag:s7] =	ssyncadd.s32 @!p0 $0xFFFF9C00  }
0xe0: {  	v0 =	vld [tilespmem:s14+$0x0];
	_ =	sdelay $0x4  }
0xe1: {  	v0 =	vmul.u32 $0x32, v0;
	_ =	sdelay $0x1  }
0xe2: {  	v1 =	vadd.s32 $0x18, v0  }
0xe3: {  	v2 =	vor.u32 $0x1, v0  }
0xe4: {  	v3 =	vadd.s32 $0x2, v0  }
0xe5: {  	v4 =	vadd.s32 $0x3, v0  }
0xe6: {  	v5 =	vadd.s32 $0x4, v0;
	v6 =	vld.idx.msk [tilespmem:v0+s4+$0x0], $0xffff  }
0xe7: {  	v8 =	vadd.s32 $0x6, v0;
	v1 =	vld.idx.msk [tilespmem:v1+s4+$0x0], $0xffff  }
0xe8: {  	v9 =	vadd.s32 $0x7, v0;
	v2 =	vld.idx.msk [tilespmem:v2+s4+$0x0], $0xffff  }
0xe9: {  	v7 =	vadd.s32 $0x5, v0;
	v3 =	vld.idx.msk [tilespmem:v3+s4+$0x0], $0xffff  }
0xea: {  	v10 =	vadd.s32 $0x8, v0;
	v4 =	vld.idx.msk [tilespmem:v4+s4+$0x0], $0xffff  }
0xeb: {  	s15 =	simm.s32 $0x0;
	s12 =	simm.s32 $0x8000;
	v11 =	vadd.s32 $0x9, v0;
	v5 =	vld.idx.msk [tilespmem:v5+s4+$0x0], $0xffff  }
0xec: {  	s13 =	sand.u32 $0x3F0, s15;
	v12 =	vadd.s32 $0xA, v0;
	v13 =	vld.idx.msk [tilespmem:v8+s4+$0x0], $0xffff;
	[tilespmem:s12+$0x0] =	vst v6  }
0xed: {  	v15 =	vadd.s32 $0xD, v0;
	v14 =	vld.idx.msk [tilespmem:v9+s4+$0x0], $0xffff;
	[tilespmem:s13+$0xE000] =	vst v1  }
0xee: {  	v6 =	vld.idx.msk [tilespmem:v7+s4+$0x0], $0xffff;
	v7 =	vadd.s32 $0xB, v0;
	[tilespmem:s13+$0x8400] =	vst v2  }
0xef: {  	v16 =	vld.idx.msk [tilespmem:v10+s4+$0x0], $0xffff;
	v1 =	vadd.s32 $0xC, v0;
	[tilespmem:s13+$0x8800] =	vst v3  }
0xf0: {  	v10 =	vld.idx.msk [tilespmem:v11+s4+$0x0], $0xffff;
	[tilespmem:s13+$0x8C00] =	vst v4  }
0xf1: {  	v11 =	vld.idx.msk [tilespmem:v12+s4+$0x0], $0xffff;
	v8 =	vadd.s32 $0xE, v0;
	[tilespmem:s13+$0x9000] =	vst v5  }
0xf2: {  	v9 =	vadd.s32 $0xF, v0;
	[tilespmem:s13+$0x9C00] =	vst v14;
	v14 =	vld.idx.msk [tilespmem:v15+s4+$0x0], $0xffff  }
0xf3: {  	v4 =	vadd.s32 $0x11, v0;
	[tilespmem:s13+$0x9800] =	vst v13;
	v12 =	vld.idx.msk [tilespmem:v7+s4+$0x0], $0xffff;
	v7 =	vadd.s32 $0x10, v0  }
0xf4: {  	s7 =	simm.s32 $0x1810;
	v5 =	vadd.s32 $0x13, v0;
	v2 =	vadd.s32 $0x14, v0;
	v3 =	vadd.s32 $0x15, v0;
	[tilespmem:s13+$0xA000] =	vst v16;
	v13 =	vld.idx.msk [tilespmem:v1+s4+$0x0], $0xffff  }
0xf5: {  	s15 =	simm.s32 $0x20;
	s14 =	simm.s32 $0x10;
	v15 =	vld [tilespmem:s7+$0x0];
	[tilespmem:s13+$0x9400] =	vst v6;
	v6 =	vadd.s32 $0x12, v0;
	v1 =	vadd.s32 $0x16, v0;
	v0 =	vadd.s32 $0x17, v0  }
.LBB2_7:
0xf6: {  	p1 =	sne.s32 s15, $0x3F0;
	[tilespmem:s13+$0xA400] =	vst v10;
	v8 =	vld.idx.msk [tilespmem:v8+s4+$0x0], $0xffff  }
0xf7: {  	[tilespmem:s13+$0xA800] =	vst v11;
	v9 =	vld.idx.msk [tilespmem:v9+s4+$0x0], $0xffff  }
0xf8: {  	[tilespmem:s13+$0xAC00] =	vst v12;
	v7 =	vld.idx.msk [tilespmem:v7+s4+$0x0], $0xffff  }
0xf9: {  	[tilespmem:s13+$0xB000] =	vst v13;
	v4 =	vld.idx.msk [tilespmem:v4+s4+$0x0], $0xffff  }
0xfa: {  	v10 =	vmul.u32 $0x32, v15;
	[tilespmem:s13+$0xB400] =	vst v14;
	v6 =	vld.idx.msk [tilespmem:v6+s4+$0x0], $0xffff  }
0xfb: {  	v5 =	vld.idx.msk [tilespmem:v5+s4+$0x0], $0xffff  }
0xfc: {  	v11 =	vor.u32 $0x1, v10;
	v12 =	vadd.s32 $0x2, v10;
	v13 =	vadd.s32 $0x18, v10;
	[tilespmem:s13+$0xB800] =	vst v8;
	v14 =	vld.idx.msk [tilespmem:v2+s4+$0x0], $0xffff  }
0xfd: {  	v15 =	vadd.s32 $0x3, v10;
	v16 =	vadd.s32 $0x4, v10;
	v17 =	vadd.s32 $0x5, v10;
	[tilespmem:s13+$0xBC00] =	vst v9;
	v18 =	vld.idx.msk [tilespmem:v3+s4+$0x0], $0xffff  }
0xfe: {  	v19 =	vadd.s32 $0x6, v10;
	v20 =	vadd.s32 $0x7, v10;
	v21 =	vadd.s32 $0x8, v10;
	[tilespmem:s13+$0xC000] =	vst v7;
	v22 =	vld.idx.msk [tilespmem:v1+s4+$0x0], $0xffff  }
0xff: {  	v23 =	vadd.s32 $0x9, v10;
	v24 =	vadd.s32 $0xA, v10;
	v25 =	vadd.s32 $0xB, v10;
	[tilespmem:s13+$0xC400] =	vst v4;
	v26 =	vld.idx.msk [tilespmem:v0+s4+$0x0], $0xffff  }
0x100: {  	v28 =	vadd.s32 $0xC, v10;
	v29 =	vadd.s32 $0xD, v10;
	v8 =	vadd.s32 $0xE, v10;
	v27 =	vld.idx.msk [tilespmem:v10+s4+$0x0], $0xffff;
	[tilespmem:s13+$0xC800] =	vst v6  }
0x101: {  	v9 =	vadd.s32 $0xF, v10;
	v7 =	vadd.s32 $0x10, v10;
	v4 =	vadd.s32 $0x11, v10;
	v13 =	vld.idx.msk [tilespmem:v13+s4+$0x0], $0xffff;
	[tilespmem:s13+$0xCC00] =	vst v5  }
0x102: {  	v2 =	vadd.s32 $0x14, v10;
	v6 =	vadd.s32 $0x12, v10;
	v5 =	vadd.s32 $0x13, v10;
	v11 =	vld.idx.msk [tilespmem:v11+s4+$0x0], $0xffff;
	[tilespmem:s13+$0xD000] =	vst v14  }
0x103: {  	v3 =	vadd.s32 $0x15, v10;
	v1 =	vadd.s32 $0x16, v10;
	v0 =	vadd.s32 $0x17, v10;
	v12 =	vld.idx.msk [tilespmem:v12+s4+$0x0], $0xffff;
	[tilespmem:s13+$0xD400] =	vst v18  }
0x104: {  	v10 =	vld.idx.msk [tilespmem:v15+s4+$0x0], $0xffff;
	[tilespmem:s13+$0xD800] =	vst v22  }
0x105: {  	s12 =	sadd.s32 $0x10, s12;
	v14 =	vld.idx.msk [tilespmem:v16+s4+$0x0], $0xffff;
	[tilespmem:s13+$0xDC00] =	vst v26  }
0x106: {  	s13 =	sand.u32 $0x3F0, s14;
	s14 =	smov.u32 s15;
	[tilespmem:s12+$0x0] =	vst v27;
	v15 =	vld.idx.msk [tilespmem:v17+s4+$0x0], $0xffff  }
0x107: {  	v16 =	vld.idx.msk [tilespmem:v19+s4+$0x0], $0xffff;
	[tilespmem:s13+$0xE000] =	vst v13  }
0x108: {  	[tilespmem:s13+$0x8400] =	vst v11;
	v17 =	vld.idx.msk [tilespmem:v20+s4+$0x0], $0xffff  }
0x109: {  	[tilespmem:s13+$0x8800] =	vst v12;
	v18 =	vld.idx.msk [tilespmem:v21+s4+$0x0], $0xffff  }
0x10a: {  	[tilespmem:s13+$0x8C00] =	vst v10;
	v10 =	vld.idx.msk [tilespmem:v23+s4+$0x0], $0xffff  }
.Ltmp2:
0x10b: {  	[tilespmem:s13+$0x9000] =	vst v14;
	v11 =	vld.idx.msk [tilespmem:v24+s4+$0x0], $0xffff;
	(pc) =	sbr.rel @p1 .LBB2_7-.Ltmp2, $4  }
0x10c: {  	[tilespmem:s13+$0x9400] =	vst v15;
	v12 =	vld.idx.msk [tilespmem:v25+s4+$0x0], $0xffff  }
0x10d: {  	[tilespmem:s13+$0x9800] =	vst v16;
	v13 =	vld.idx.msk [tilespmem:v28+s4+$0x0], $0xffff  }
0x10e: {  	s7 =	sadd.s32 $0x10, s7;
	[tilespmem:s13+$0x9C00] =	vst v17;
	v14 =	vld.idx.msk [tilespmem:v29+s4+$0x0], $0xffff  }
0x10f: {  	s15 =	sadd.s32 $0x10, s15;
	v15 =	vld [tilespmem:s7+$0x0];
	[tilespmem:s13+$0xA000] =	vst v18  }
0x110: {  	_ =	sdelay $0x3  }
0x111: {  	[tilespmem:s13+$0xA400] =	vst v10;
	v8 =	vld.idx.msk [tilespmem:v8+s4+$0x0], $0xffff  }
0x112: {  	[tilespmem:s13+$0xA800] =	vst v11;
	v9 =	vld.idx.msk [tilespmem:v9+s4+$0x0], $0xffff  }
0x113: {  	v7 =	vld.idx.msk [tilespmem:v7+s4+$0x0], $0xffff;
	[tilespmem:s13+$0xAC00] =	vst v12  }
0x114: {  	v4 =	vld.idx.msk [tilespmem:v4+s4+$0x0], $0xffff;
	[tilespmem:s13+$0xB000] =	vst v13  }
0x115: {  	v6 =	vld.idx.msk [tilespmem:v6+s4+$0x0], $0xffff;
	[tilespmem:s13+$0xB400] =	vst v14;
	v10 =	vmul.u32 $0x32, v15  }
0x116: {  	v5 =	vld.idx.msk [tilespmem:v5+s4+$0x0], $0xffff;
	[tilespmem:s13+$0xB800] =	vst v8  }
0x117: {  	v2 =	vld.idx.msk [tilespmem:v2+s4+$0x0], $0xffff;
	[tilespmem:s13+$0xBC00] =	vst v9;
	v8 =	vadd.s32 $0x18, v10  }
0x118: {  	v3 =	vld.idx.msk [tilespmem:v3+s4+$0x0], $0xffff;
	[tilespmem:s13+$0xC000] =	vst v7;
	v9 =	vor.u32 $0x1, v10  }
0x119: {  	v1 =	vld.idx.msk [tilespmem:v1+s4+$0x0], $0xffff;
	[tilespmem:s13+$0xC400] =	vst v4;
	v7 =	vadd.s32 $0x2, v10  }
0x11a: {  	v0 =	vld.idx.msk [tilespmem:v0+s4+$0x0], $0xffff;
	[tilespmem:s13+$0xC800] =	vst v6;
	v4 =	vadd.s32 $0x3, v10  }
0x11b: {  	[tilespmem:s13+$0xCC00] =	vst v5;
	v6 =	vadd.s32 $0x4, v10;
	v11 =	vld.idx.msk [tilespmem:v10+s4+$0x0], $0xffff  }
0x11c: {  	[tilespmem:s13+$0xD000] =	vst v2;
	v5 =	vadd.s32 $0x5, v10;
	v8 =	vld.idx.msk [tilespmem:v8+s4+$0x0], $0xffff  }
0x11d: {  	[tilespmem:s13+$0xD400] =	vst v3;
	v2 =	vadd.s32 $0x6, v10;
	v9 =	vld.idx.msk [tilespmem:v9+s4+$0x0], $0xffff  }
0x11e: {  	[tilespmem:s13+$0xD800] =	vst v1;
	v3 =	vadd.s32 $0x7, v10;
	v7 =	vld.idx.msk [tilespmem:v7+s4+$0x0], $0xffff  }
0x11f: {  	s7 =	sadd.s32 $0x10, s12;
	[tilespmem:s13+$0xDC00] =	vst v0;
	v1 =	vadd.s32 $0x8, v10;
	v4 =	vld.idx.msk [tilespmem:v4+s4+$0x0], $0xffff  }
0x120: {  	s12 =	sand.u32 $0x3F0, s14;
	v0 =	vadd.s32 $0x9, v10;
	v6 =	vld.idx.msk [tilespmem:v6+s4+$0x0], $0xffff;
	[tilespmem:s7+$0x0] =	vst v11  }
0x121: {  	v5 =	vld.idx.msk [tilespmem:v5+s4+$0x0], $0xffff;
	v11 =	vadd.s32 $0xA, v10;
	[tilespmem:s12+$0xE000] =	vst v8  }
0x122: {  	v2 =	vld.idx.msk [tilespmem:v2+s4+$0x0], $0xffff;
	v8 =	vadd.s32 $0xB, v10;
	[tilespmem:s12+$0x8400] =	vst v9  }
0x123: {  	v3 =	vld.idx.msk [tilespmem:v3+s4+$0x0], $0xffff;
	v9 =	vadd.s32 $0xC, v10;
	[tilespmem:s12+$0x8800] =	vst v7  }
0x124: {  	v1 =	vld.idx.msk [tilespmem:v1+s4+$0x0], $0xffff;
	v7 =	vadd.s32 $0xD, v10;
	[tilespmem:s12+$0x8C00] =	vst v4  }
0x125: {  	v0 =	vld.idx.msk [tilespmem:v0+s4+$0x0], $0xffff;
	v4 =	vadd.s32 $0xE, v10;
	[tilespmem:s12+$0x9000] =	vst v6  }
0x126: {  	v6 =	vadd.s32 $0xF, v10;
	[tilespmem:s12+$0x9400] =	vst v5;
	v11 =	vld.idx.msk [tilespmem:v11+s4+$0x0], $0xffff  }
0x127: {  	v5 =	vadd.s32 $0x10, v10;
	[tilespmem:s12+$0x9800] =	vst v2;
	v8 =	vld.idx.msk [tilespmem:v8+s4+$0x0], $0xffff  }
0x128: {  	v2 =	vadd.s32 $0x11, v10;
	[tilespmem:s12+$0x9C00] =	vst v3;
	v9 =	vld.idx.msk [tilespmem:v9+s4+$0x0], $0xffff  }
0x129: {  	v3 =	vadd.s32 $0x12, v10;
	[tilespmem:s12+$0xA000] =	vst v1;
	v7 =	vld.idx.msk [tilespmem:v7+s4+$0x0], $0xffff  }
0x12a: {  	v1 =	vadd.s32 $0x13, v10;
	[tilespmem:s12+$0xA400] =	vst v0;
	v0 =	vld.idx.msk [tilespmem:v4+s4+$0x0], $0xffff  }
0x12b: {  	v4 =	vadd.s32 $0x14, v10;
	v6 =	vld.idx.msk [tilespmem:v6+s4+$0x0], $0xffff;
	[tilespmem:s12+$0xA800] =	vst v11  }
0x12c: {  	v5 =	vld.idx.msk [tilespmem:v5+s4+$0x0], $0xffff;
	v11 =	vadd.s32 $0x15, v10;
	[tilespmem:s12+$0xAC00] =	vst v8  }
0x12d: {  	v2 =	vld.idx.msk [tilespmem:v2+s4+$0x0], $0xffff;
	v8 =	vadd.s32 $0x16, v10;
	[tilespmem:s12+$0xB000] =	vst v9  }
0x12e: {  	v3 =	vld.idx.msk [tilespmem:v3+s4+$0x0], $0xffff;
	v9 =	vadd.s32 $0x17, v10;
	[tilespmem:s12+$0xB400] =	vst v7  }
0x12f: {  	v1 =	vld.idx.msk [tilespmem:v1+s4+$0x0], $0xffff;
	[tilespmem:s12+$0xB800] =	vst v0  }
0x130: {  	v0 =	vld.idx.msk [tilespmem:v4+s4+$0x0], $0xffff;
	[tilespmem:s12+$0xBC00] =	vst v6  }
0x131: {  	[tilespmem:s12+$0xC000] =	vst v5;
	v4 =	vld.idx.msk [tilespmem:v11+s4+$0x0], $0xffff  }
0x132: {  	[tilespmem:s12+$0xC400] =	vst v2;
	v5 =	vld.idx.msk [tilespmem:v8+s4+$0x0], $0xffff  }
0x133: {  	[tilespmem:s12+$0xC800] =	vst v3;
	v2 =	vld.idx.msk [tilespmem:v9+s4+$0x0], $0xffff  }
0x134: {  	[tilespmem:s12+$0xCC00] =	vst v1  }
0x135: {  	[tilespmem:s12+$0xD000] =	vst v0  }
0x136: {  	[tilespmem:s12+$0xD400] =	vst v4  }
0x137: {  	[tilespmem:s12+$0xD800] =	vst v5  }
0x138: {  	s13 =	sadd.s32 s8, s11;
	s7 =	simm.s32 @!p0 $0x4;
	[tilespmem:s12+$0xDC00] =	vst v2  }
0x139: {  	[hbm4b:s13+s19] =	stream.strided.scatter [tilespmem:s24], [sflag:$0x2], $0x6400, s20, s19, $0x38;
	[tilespmem:$0x1AC00] =	vst v63  }
0x13a: {  	_ =	swait.ge @!p0 [sflag:s7], $0x6400  }
0x13b: {  	[sflag:s7] =	ssyncset.done @!p0 $0x0  }
0x13c: {  	s14 =	simm.s32 $0x1800;
	[sflag:s7] =	ssyncadd.s32 @!p0 $0xFFFF9C00  }
0x13d: {  	v0 =	vld [tilespmem:s14+$0x0];
	_ =	sdelay $0x4  }
0x13e: {  	v0 =	vmul.u32 $0x32, v0;
	_ =	sdelay $0x1  }
0x13f: {  	v1 =	vadd.s32 $0x31, v0  }
0x140: {  	v2 =	vadd.s32 $0x19, v0  }
0x141: {  	v3 =	vadd.s32 $0x1A, v0  }
0x142: {  	s7 =	simm.s32 $0x1810;
	v4 =	vadd.s32 $0x1B, v0  }
0x143: {  	v16 =	vld [tilespmem:s7+$0x0];
	v5 =	vadd.s32 $0x1C, v0  }
0x144: {  	v6 =	vadd.s32 $0x1D, v0;
	v1 =	vld.idx.msk [tilespmem:v1+s4+$0x0], $0xffff  }
0x145: {  	v7 =	vadd.s32 $0x1E, v0;
	v2 =	vld.idx.msk [tilespmem:v2+s4+$0x0], $0xffff  }
0x146: {  	v9 =	vadd.s32 $0x20, v0;
	v3 =	vld.idx.msk [tilespmem:v3+s4+$0x0], $0xffff  }
0x147: {  	s15 =	simm.s32 $0x0;
	v8 =	vadd.s32 $0x1F, v0;
	v4 =	vld.idx.msk [tilespmem:v4+s4+$0x0], $0xffff  }
0x148: {  	s12 =	sand.u32 $0x3F0, s15;
	v10 =	vadd.s32 $0x21, v0;
	v5 =	vld.idx.msk [tilespmem:v5+s4+$0x0], $0xffff  }
0x149: {  	s8 =	simm.s32 $0x14800;
	v12 =	vadd.s32 $0x22, v0;
	v6 =	vld.idx.msk [tilespmem:v6+s4+$0x0], $0xffff;
	[tilespmem:s12+$0x1A800] =	vst v1  }
0x14a: {  	v13 =	vadd.s32 $0x23, v0;
	v7 =	vld.idx.msk [tilespmem:v7+s4+$0x0], $0xffff;
	[tilespmem:s8+$0x0] =	vst v2  }
0x14b: {  	v17 =	vld.idx.msk [tilespmem:v9+s4+$0x0], $0xffff;
	v1 =	vadd.s32 $0x24, v0;
	[tilespmem:s12+$0x14C00] =	vst v3  }
0x14c: {  	v15 =	vadd.s32 $0x25, v0;
	v2 =	vld.idx.msk [tilespmem:v8+s4+$0x0], $0xffff;
	[tilespmem:s12+$0x15000] =	vst v4  }
0x14d: {  	v11 =	vld.idx.msk [tilespmem:v10+s4+$0x0], $0xffff;
	v9 =	vadd.s32 $0x26, v0;
	[tilespmem:s12+$0x15400] =	vst v5  }
0x14e: {  	v12 =	vld.idx.msk [tilespmem:v12+s4+$0x0], $0xffff;
	v10 =	vadd.s32 $0x27, v0;
	[tilespmem:s12+$0x15800] =	vst v6  }
0x14f: {  	v13 =	vld.idx.msk [tilespmem:v13+s4+$0x0], $0xffff;
	v8 =	vadd.s32 $0x28, v0;
	v6 =	vadd.s32 $0x29, v0;
	v5 =	vadd.s32 $0x2A, v0;
	[tilespmem:s12+$0x15C00] =	vst v7  }
0x150: {  	v7 =	vadd.s32 $0x2B, v0;
	v4 =	vadd.s32 $0x2C, v0;
	v3 =	vadd.s32 $0x2D, v0;
	[tilespmem:s12+$0x16400] =	vst v17;
	v14 =	vld.idx.msk [tilespmem:v1+s4+$0x0], $0xffff  }
0x151: {  	s13 =	simm.s32 $0x10;
	s14 =	simm.s32 $0x20;
	v15 =	vld.idx.msk [tilespmem:v15+s4+$0x0], $0xffff;
	[tilespmem:s12+$0x16000] =	vst v2;
	v2 =	vadd.s32 $0x2E, v0;
	v1 =	vadd.s32 $0x2F, v0;
	v0 =	vadd.s32 $0x30, v0  }
.LBB2_9:
0x152: {  	p0 =	sne.s32 s14, $0x3F0;
	[tilespmem:s12+$0x16800] =	vst v11;
	v9 =	vld.idx.msk [tilespmem:v9+s4+$0x0], $0xffff  }
0x153: {  	[tilespmem:s12+$0x16C00] =	vst v12;
	v10 =	vld.idx.msk [tilespmem:v10+s4+$0x0], $0xffff  }
0x154: {  	[tilespmem:s12+$0x17000] =	vst v13;
	v8 =	vld.idx.msk [tilespmem:v8+s4+$0x0], $0xffff  }
0x155: {  	[tilespmem:s12+$0x17400] =	vst v14;
	v6 =	vld.idx.msk [tilespmem:v6+s4+$0x0], $0xffff  }
0x156: {  	v11 =	vmul.u32 $0x32, v16;
	[tilespmem:s12+$0x17800] =	vst v15;
	v5 =	vld.idx.msk [tilespmem:v5+s4+$0x0], $0xffff  }
0x157: {  	v7 =	vld.idx.msk [tilespmem:v7+s4+$0x0], $0xffff  }
0x158: {  	v12 =	vadd.s32 $0x19, v11;
	v13 =	vadd.s32 $0x1A, v11;
	v14 =	vadd.s32 $0x31, v11;
	[tilespmem:s12+$0x17C00] =	vst v9;
	v15 =	vld.idx.msk [tilespmem:v4+s4+$0x0], $0xffff  }
0x159: {  	v16 =	vadd.s32 $0x1B, v11;
	v17 =	vadd.s32 $0x1C, v11;
	v18 =	vadd.s32 $0x1D, v11;
	[tilespmem:s12+$0x18000] =	vst v10;
	v19 =	vld.idx.msk [tilespmem:v3+s4+$0x0], $0xffff  }
0x15a: {  	v20 =	vadd.s32 $0x1E, v11;
	v21 =	vadd.s32 $0x1F, v11;
	v22 =	vadd.s32 $0x20, v11;
	[tilespmem:s12+$0x18400] =	vst v8;
	v23 =	vld.idx.msk [tilespmem:v2+s4+$0x0], $0xffff  }
0x15b: {  	v24 =	vadd.s32 $0x21, v11;
	v25 =	vadd.s32 $0x22, v11;
	v26 =	vadd.s32 $0x23, v11;
	[tilespmem:s12+$0x18800] =	vst v6;
	v27 =	vld.idx.msk [tilespmem:v1+s4+$0x0], $0xffff  }
0x15c: {  	v28 =	vadd.s32 $0x24, v11;
	v29 =	vadd.s32 $0x25, v11;
	v9 =	vadd.s32 $0x26, v11;
	[tilespmem:s12+$0x18C00] =	vst v5;
	v30 =	vld.idx.msk [tilespmem:v0+s4+$0x0], $0xffff  }
0x15d: {  	v10 =	vadd.s32 $0x27, v11;
	v8 =	vadd.s32 $0x28, v11;
	v6 =	vadd.s32 $0x29, v11;
	v14 =	vld.idx.msk [tilespmem:v14+s4+$0x0], $0xffff;
	[tilespmem:s12+$0x19000] =	vst v7  }
0x15e: {  	v4 =	vadd.s32 $0x2C, v11;
	v5 =	vadd.s32 $0x2A, v11;
	v7 =	vadd.s32 $0x2B, v11;
	v12 =	vld.idx.msk [tilespmem:v12+s4+$0x0], $0xffff;
	[tilespmem:s12+$0x19400] =	vst v15  }
0x15f: {  	v3 =	vadd.s32 $0x2D, v11;
	v2 =	vadd.s32 $0x2E, v11;
	v1 =	vadd.s32 $0x2F, v11;
	v13 =	vld.idx.msk [tilespmem:v13+s4+$0x0], $0xffff;
	[tilespmem:s12+$0x19800] =	vst v19  }
0x160: {  	v0 =	vadd.s32 $0x30, v11;
	v15 =	vld.idx.msk [tilespmem:v16+s4+$0x0], $0xffff;
	[tilespmem:s12+$0x19C00] =	vst v23  }
0x161: {  	v16 =	vld.idx.msk [tilespmem:v17+s4+$0x0], $0xffff;
	[tilespmem:s12+$0x1A000] =	vst v27  }
0x162: {  	v17 =	vld.idx.msk [tilespmem:v18+s4+$0x0], $0xffff;
	[tilespmem:s12+$0x1A400] =	vst v30;
	s12 =	sand.u32 $0x3F0, s13;
	s13 =	smov.u32 s14  }
0x163: {  	s8 =	sadd.s32 $0x10, s8;
	v18 =	vld.idx.msk [tilespmem:v20+s4+$0x0], $0xffff;
	[tilespmem:s12+$0x1A800] =	vst v14  }
0x164: {  	[tilespmem:s8+$0x0] =	vst v12;
	v19 =	vld.idx.msk [tilespmem:v21+s4+$0x0], $0xffff  }
0x165: {  	[tilespmem:s12+$0x14C00] =	vst v13;
	v20 =	vld.idx.msk [tilespmem:v22+s4+$0x0], $0xffff  }
0x166: {  	[tilespmem:s12+$0x15000] =	vst v15;
	v11 =	vld.idx.msk [tilespmem:v24+s4+$0x0], $0xffff  }
.Ltmp3:
0x167: {  	[tilespmem:s12+$0x15400] =	vst v16;
	v12 =	vld.idx.msk [tilespmem:v25+s4+$0x0], $0xffff;
	(pc) =	sbr.rel @p0 .LBB2_9-.Ltmp3, $4  }
0x168: {  	[tilespmem:s12+$0x15800] =	vst v17;
	v13 =	vld.idx.msk [tilespmem:v26+s4+$0x0], $0xffff  }
0x169: {  	[tilespmem:s12+$0x15C00] =	vst v18;
	v14 =	vld.idx.msk [tilespmem:v28+s4+$0x0], $0xffff  }
0x16a: {  	s7 =	sadd.s32 $0x10, s7;
	[tilespmem:s12+$0x16000] =	vst v19;
	v15 =	vld.idx.msk [tilespmem:v29+s4+$0x0], $0xffff  }
0x16b: {  	s14 =	sadd.s32 $0x10, s14;
	v16 =	vld [tilespmem:s7+$0x0];
	[tilespmem:s12+$0x16400] =	vst v20  }
0x16c: {  	_ =	sdelay $0x3  }
0x16d: {  	[tilespmem:s12+$0x16800] =	vst v11;
	v9 =	vld.idx.msk [tilespmem:v9+s4+$0x0], $0xffff  }
0x16e: {  	[tilespmem:s12+$0x16C00] =	vst v12;
	v10 =	vld.idx.msk [tilespmem:v10+s4+$0x0], $0xffff  }
0x16f: {  	v8 =	vld.idx.msk [tilespmem:v8+s4+$0x0], $0xffff;
	[tilespmem:s12+$0x17000] =	vst v13  }
0x170: {  	v6 =	vld.idx.msk [tilespmem:v6+s4+$0x0], $0xffff;
	[tilespmem:s12+$0x17400] =	vst v14  }
0x171: {  	v5 =	vld.idx.msk [tilespmem:v5+s4+$0x0], $0xffff;
	[tilespmem:s12+$0x17800] =	vst v15;
	v31 =	vmul.u32 $0x32, v16  }
0x172: {  	v7 =	vld.idx.msk [tilespmem:v7+s4+$0x0], $0xffff;
	[tilespmem:s12+$0x17C00] =	vst v9  }
0x173: {  	v4 =	vld.idx.msk [tilespmem:v4+s4+$0x0], $0xffff;
	[tilespmem:s12+$0x18000] =	vst v10;
	v32 =	vadd.s32 $0x31, v31  }
0x174: {  	v3 =	vld.idx.msk [tilespmem:v3+s4+$0x0], $0xffff;
	[tilespmem:s12+$0x18400] =	vst v8;
	v33 =	vadd.s32 $0x19, v31  }
0x175: {  	v2 =	vld.idx.msk [tilespmem:v2+s4+$0x0], $0xffff;
	[tilespmem:s12+$0x18800] =	vst v6;
	v34 =	vadd.s32 $0x1A, v31  }
0x176: {  	v1 =	vld.idx.msk [tilespmem:v1+s4+$0x0], $0xffff;
	[tilespmem:s12+$0x18C00] =	vst v5;
	v35 =	vadd.s32 $0x1B, v31  }
0x177: {  	v0 =	vld.idx.msk [tilespmem:v0+s4+$0x0], $0xffff;
	[tilespmem:s12+$0x19000] =	vst v7;
	v36 =	vadd.s32 $0x1C, v31  }
0x178: {  	[tilespmem:s12+$0x19400] =	vst v4;
	v37 =	vadd.s32 $0x1D, v31;
	v9 =	vld.idx.msk [tilespmem:v32+s4+$0x0], $0xffff  }
0x179: {  	[tilespmem:s12+$0x19800] =	vst v3;
	v38 =	vadd.s32 $0x1E, v31;
	v10 =	vld.idx.msk [tilespmem:v33+s4+$0x0], $0xffff  }
0x17a: {  	[tilespmem:s12+$0x19C00] =	vst v2;
	v39 =	vadd.s32 $0x1F, v31;
	v8 =	vld.idx.msk [tilespmem:v34+s4+$0x0], $0xffff  }
0x17b: {  	[tilespmem:s12+$0x1A000] =	vst v1;
	v40 =	vadd.s32 $0x20, v31;
	v6 =	vld.idx.msk [tilespmem:v35+s4+$0x0], $0xffff  }
0x17c: {  	s7 =	sand.u32 $0x3F0, s13;
	[tilespmem:s12+$0x1A400] =	vst v0;
	v41 =	vadd.s32 $0x21, v31;
	v5 =	vld.idx.msk [tilespmem:v36+s4+$0x0], $0xffff  }
0x17d: {  	s8 =	sadd.s32 $0x10, s8;
	v42 =	vadd.s32 $0x22, v31;
	v7 =	vld.idx.msk [tilespmem:v37+s4+$0x0], $0xffff;
	[tilespmem:s7+$0x1A800] =	vst v9  }
0x17e: {  	v46 =	vadd.s32 $0x26, v31;
	v4 =	vld.idx.msk [tilespmem:v38+s4+$0x0], $0xffff;
	[tilespmem:s8+$0x0] =	vst v10  }
0x17f: {  	v47 =	vadd.s32 $0x27, v31;
	v3 =	vld.idx.msk [tilespmem:v39+s4+$0x0], $0xffff;
	[tilespmem:s7+$0x14C00] =	vst v8  }
0x180: {  	v53 =	vadd.s32 $0x2C, v31;
	v2 =	vld.idx.msk [tilespmem:v40+s4+$0x0], $0xffff;
	[tilespmem:s7+$0x15000] =	vst v6  }
0x181: {  	v55 =	vadd.s32 $0x2D, v31;
	v1 =	vld.idx.msk [tilespmem:v41+s4+$0x0], $0xffff;
	[tilespmem:s7+$0x15400] =	vst v5  }
0x182: {  	v56 =	vadd.s32 $0x2E, v31;
	v0 =	vld.idx.msk [tilespmem:v42+s4+$0x0], $0xffff;
	[tilespmem:s7+$0x15800] =	vst v7  }
0x183: {  	v57 =	vadd.s32 $0x2F, v31;
	v52 =	vld.idx.msk [tilespmem:v46+s4+$0x0], $0xffff;
	[tilespmem:s7+$0x15C00] =	vst v4  }
0x184: {  	v58 =	vadd.s32 $0x30, v31;
	v54 =	vld.idx.msk [tilespmem:v47+s4+$0x0], $0xffff;
	[tilespmem:s7+$0x16000] =	vst v3  }
0x185: {  	v43 =	vadd.s32 $0x23, v31;
	v59 =	vld.idx.msk [tilespmem:v53+s4+$0x0], $0xffff;
	[tilespmem:s7+$0x16400] =	vst v2  }
0x186: {  	v44 =	vadd.s32 $0x24, v31;
	v60 =	vld.idx.msk [tilespmem:v55+s4+$0x0], $0xffff;
	[tilespmem:s7+$0x16800] =	vst v1  }
0x187: {  	v45 =	vadd.s32 $0x25, v31;
	v61 =	vld.idx.msk [tilespmem:v56+s4+$0x0], $0xffff;
	[tilespmem:s7+$0x16C00] =	vst v0  }
0x188: {  	v48 =	vadd.s32 $0x28, v31;
	v62 =	vld.idx.msk [tilespmem:v57+s4+$0x0], $0xffff;
	[tilespmem:s7+$0x17C00] =	vst v52  }
0x189: {  	v49 =	vadd.s32 $0x29, v31;
	v63 =	vld.idx.msk [tilespmem:v58+s4+$0x0], $0xffff;
	[tilespmem:s7+$0x18000] =	vst v54  }
0x18a: {  	v50 =	vadd.s32 $0x2A, v31;
	v9 =	vld.idx.msk [tilespmem:v43+s4+$0x0], $0xffff;
	[tilespmem:s7+$0x19400] =	vst v59  }
0x18b: {  	v51 =	vadd.s32 $0x2B, v31;
	v10 =	vld.idx.msk [tilespmem:v44+s4+$0x0], $0xffff;
	[tilespmem:s7+$0x19800] =	vst v60  }
0x18c: {  	v8 =	vld.idx.msk [tilespmem:v45+s4+$0x0], $0xffff;
	[tilespmem:s7+$0x19C00] =	vst v61  }
0x18d: {  	v7 =	vld.idx.msk [tilespmem:v48+s4+$0x0], $0xffff;
	[tilespmem:s7+$0x1A000] =	vst v62  }
0x18e: {  	v4 =	vld.idx.msk [tilespmem:v49+s4+$0x0], $0xffff;
	[tilespmem:s7+$0x1A400] =	vst v63  }
0x18f: {  	v3 =	vld.idx.msk [tilespmem:v50+s4+$0x0], $0xffff;
	[tilespmem:s7+$0x17000] =	vst v9  }
0x190: {  	v2 =	vld.idx.msk [tilespmem:v51+s4+$0x0], $0xffff;
	[tilespmem:s7+$0x17400] =	vst v10  }
0x191: {  	p0 =	seq.s32 s0, $0xB;
	[tilespmem:s7+$0x17800] =	vst v8  }
.Ltmp4:
0x192: {  	[tilespmem:s7+$0x18400] =	vst v7;
	(pc) =	sbr.rel @p0 .LBB2_12-.Ltmp4, $4  }
0x193: {  	[tilespmem:s7+$0x18800] =	vst v4  }
0x194: {  	[tilespmem:s7+$0x18C00] =	vst v3  }
0x195: {  	s6 =	sadd.s32 $0x272000, s6;
	[tilespmem:s7+$0x19000] =	vst v2  }
0x196: {  	[hbm4b:s6+s19] =	stream.strided.scatter [tilespmem:s25], [sflag:$0x4], $0x6400, s20, s19, $0x38;
	[tilespmem:$0x1AC00] =	vst v63  }
.Ltmp5:
0x197: {  	(pc) =	sbr.rel .LBB2_2-.Ltmp5, $4  }
0x198: {  	s1 =	sadd.s32 s10, s1  }
0x199: {  	s1 =	sshrl.u32 s1, $0x3  }
0x19a: {  	s0 =	sadd.s32 $0x1, s0;
	s1 =	sadd.s32 s2, s1  }
0x19b: {  	[tilespmem:s17], [sflag:$0x6] =	stream.linear.gather [hbm4b:s1+s4], $0x400, $0x38;
	[tilespmem:$0x1AC00] =	vst v63  }
.LBB2_12:
0x19c: {  	_ =	swait.ge [sflag:s18], $0x400  }
0x19d: {  	[sflag:s18] =	ssyncset.done $0x0  }
0x19e: {  	[sflag:s18] =	ssyncadd.s32 $0xFFFFFC00  }
0x19f: {  	_ =	swait.ge [sflag:s26], $0x6400  }
0x1a0: {  	[sflag:s26] =	ssyncset.done $0x0  }
0x1a1: {  	s0 =	simm.s32 $0x1400;
	[sflag:s26] =	ssyncadd.s32 $0xFFFF9C00  }
0x1a2: {  	v0 =	vld [tilespmem:s0+$0x0];
	_ =	sdelay $0x4  }
0x1a3: {  	v0 =	vmul.u32 $0x32, v0;
	_ =	sdelay $0x1  }
0x1a4: {  	v1 =	vadd.s32 $0x18, v0  }
0x1a5: {  	v2 =	vor.u32 $0x1, v0  }
0x1a6: {  	v3 =	vadd.s32 $0x2, v0  }
0x1a7: {  	v4 =	vadd.s32 $0x3, v0  }
0x1a8: {  	v5 =	vadd.s32 $0x4, v0;
	v6 =	vld.idx.msk [tilespmem:v0+s4+$0x0], $0xffff  }
0x1a9: {  	v8 =	vadd.s32 $0x6, v0;
	v1 =	vld.idx.msk [tilespmem:v1+s4+$0x0], $0xffff  }
0x1aa: {  	v9 =	vadd.s32 $0x7, v0;
	v2 =	vld.idx.msk [tilespmem:v2+s4+$0x0], $0xffff  }
0x1ab: {  	v7 =	vadd.s32 $0x5, v0;
	v3 =	vld.idx.msk [tilespmem:v3+s4+$0x0], $0xffff  }
0x1ac: {  	v10 =	vadd.s32 $0x8, v0;
	v4 =	vld.idx.msk [tilespmem:v4+s4+$0x0], $0xffff  }
0x1ad: {  	s1 =	simm.s32 $0x0;
	s0 =	simm.s32 $0x1C00;
	v11 =	vadd.s32 $0x9, v0;
	v5 =	vld.idx.msk [tilespmem:v5+s4+$0x0], $0xffff  }
0x1ae: {  	s1 =	sand.u32 $0x3F0, s1;
	v12 =	vadd.s32 $0xA, v0;
	v13 =	vld.idx.msk [tilespmem:v8+s4+$0x0], $0xffff;
	[tilespmem:s0+$0x0] =	vst v6  }
0x1af: {  	v15 =	vadd.s32 $0xD, v0;
	v14 =	vld.idx.msk [tilespmem:v9+s4+$0x0], $0xffff;
	[tilespmem:s1+$0x7C00] =	vst v1  }
0x1b0: {  	v6 =	vld.idx.msk [tilespmem:v7+s4+$0x0], $0xffff;
	v7 =	vadd.s32 $0xB, v0;
	[tilespmem:s1+$0x2000] =	vst v2  }
0x1b1: {  	v16 =	vld.idx.msk [tilespmem:v10+s4+$0x0], $0xffff;
	v1 =	vadd.s32 $0xC, v0;
	[tilespmem:s1+$0x2400] =	vst v3  }
0x1b2: {  	v10 =	vld.idx.msk [tilespmem:v11+s4+$0x0], $0xffff;
	[tilespmem:s1+$0x2800] =	vst v4  }
0x1b3: {  	v11 =	vld.idx.msk [tilespmem:v12+s4+$0x0], $0xffff;
	v8 =	vadd.s32 $0xE, v0;
	[tilespmem:s1+$0x2C00] =	vst v5  }
0x1b4: {  	v9 =	vadd.s32 $0xF, v0;
	[tilespmem:s1+$0x3800] =	vst v14;
	v14 =	vld.idx.msk [tilespmem:v15+s4+$0x0], $0xffff  }
0x1b5: {  	v4 =	vadd.s32 $0x11, v0;
	[tilespmem:s1+$0x3400] =	vst v13;
	v12 =	vld.idx.msk [tilespmem:v7+s4+$0x0], $0xffff;
	v7 =	vadd.s32 $0x10, v0  }
0x1b6: {  	s7 =	simm.s32 $0x1410;
	v5 =	vadd.s32 $0x13, v0;
	v2 =	vadd.s32 $0x14, v0;
	v3 =	vadd.s32 $0x15, v0;
	[tilespmem:s1+$0x3C00] =	vst v16;
	v13 =	vld.idx.msk [tilespmem:v1+s4+$0x0], $0xffff  }
0x1b7: {  	s6 =	simm.s32 $0x10;
	s8 =	simm.s32 $0x20;
	v15 =	vld [tilespmem:s7+$0x0];
	[tilespmem:s1+$0x3000] =	vst v6;
	v6 =	vadd.s32 $0x12, v0;
	v1 =	vadd.s32 $0x16, v0;
	v0 =	vadd.s32 $0x17, v0  }
.LBB2_13:
0x1b8: {  	p0 =	sne.s32 s8, $0x3F0;
	[tilespmem:s1+$0x4000] =	vst v10;
	v8 =	vld.idx.msk [tilespmem:v8+s4+$0x0], $0xffff  }
0x1b9: {  	[tilespmem:s1+$0x4400] =	vst v11;
	v9 =	vld.idx.msk [tilespmem:v9+s4+$0x0], $0xffff  }
0x1ba: {  	[tilespmem:s1+$0x4800] =	vst v12;
	v7 =	vld.idx.msk [tilespmem:v7+s4+$0x0], $0xffff  }
0x1bb: {  	[tilespmem:s1+$0x4C00] =	vst v13;
	v4 =	vld.idx.msk [tilespmem:v4+s4+$0x0], $0xffff  }
0x1bc: {  	v10 =	vmul.u32 $0x32, v15;
	[tilespmem:s1+$0x5000] =	vst v14;
	v6 =	vld.idx.msk [tilespmem:v6+s4+$0x0], $0xffff  }
0x1bd: {  	v5 =	vld.idx.msk [tilespmem:v5+s4+$0x0], $0xffff  }
0x1be: {  	v11 =	vor.u32 $0x1, v10;
	v12 =	vadd.s32 $0x2, v10;
	v13 =	vadd.s32 $0x18, v10;
	[tilespmem:s1+$0x5400] =	vst v8;
	v14 =	vld.idx.msk [tilespmem:v2+s4+$0x0], $0xffff  }
0x1bf: {  	v15 =	vadd.s32 $0x3, v10;
	v16 =	vadd.s32 $0x4, v10;
	v17 =	vadd.s32 $0x5, v10;
	[tilespmem:s1+$0x5800] =	vst v9;
	v18 =	vld.idx.msk [tilespmem:v3+s4+$0x0], $0xffff  }
0x1c0: {  	v19 =	vadd.s32 $0x6, v10;
	v20 =	vadd.s32 $0x7, v10;
	v21 =	vadd.s32 $0x8, v10;
	[tilespmem:s1+$0x5C00] =	vst v7;
	v22 =	vld.idx.msk [tilespmem:v1+s4+$0x0], $0xffff  }
0x1c1: {  	v23 =	vadd.s32 $0x9, v10;
	v24 =	vadd.s32 $0xA, v10;
	v25 =	vadd.s32 $0xB, v10;
	[tilespmem:s1+$0x6000] =	vst v4;
	v26 =	vld.idx.msk [tilespmem:v0+s4+$0x0], $0xffff  }
0x1c2: {  	v28 =	vadd.s32 $0xC, v10;
	v29 =	vadd.s32 $0xD, v10;
	v8 =	vadd.s32 $0xE, v10;
	v27 =	vld.idx.msk [tilespmem:v10+s4+$0x0], $0xffff;
	[tilespmem:s1+$0x6400] =	vst v6  }
0x1c3: {  	v9 =	vadd.s32 $0xF, v10;
	v7 =	vadd.s32 $0x10, v10;
	v4 =	vadd.s32 $0x11, v10;
	v13 =	vld.idx.msk [tilespmem:v13+s4+$0x0], $0xffff;
	[tilespmem:s1+$0x6800] =	vst v5  }
0x1c4: {  	v2 =	vadd.s32 $0x14, v10;
	v6 =	vadd.s32 $0x12, v10;
	v5 =	vadd.s32 $0x13, v10;
	v11 =	vld.idx.msk [tilespmem:v11+s4+$0x0], $0xffff;
	[tilespmem:s1+$0x6C00] =	vst v14  }
0x1c5: {  	v3 =	vadd.s32 $0x15, v10;
	v1 =	vadd.s32 $0x16, v10;
	v0 =	vadd.s32 $0x17, v10;
	v12 =	vld.idx.msk [tilespmem:v12+s4+$0x0], $0xffff;
	[tilespmem:s1+$0x7000] =	vst v18  }
0x1c6: {  	v10 =	vld.idx.msk [tilespmem:v15+s4+$0x0], $0xffff;
	[tilespmem:s1+$0x7400] =	vst v22  }
0x1c7: {  	s0 =	sadd.s32 $0x10, s0;
	v14 =	vld.idx.msk [tilespmem:v16+s4+$0x0], $0xffff;
	[tilespmem:s1+$0x7800] =	vst v26  }
0x1c8: {  	s1 =	sand.u32 $0x3F0, s6;
	s6 =	smov.u32 s8;
	[tilespmem:s0+$0x0] =	vst v27;
	v15 =	vld.idx.msk [tilespmem:v17+s4+$0x0], $0xffff  }
0x1c9: {  	v16 =	vld.idx.msk [tilespmem:v19+s4+$0x0], $0xffff;
	[tilespmem:s1+$0x7C00] =	vst v13  }
0x1ca: {  	[tilespmem:s1+$0x2000] =	vst v11;
	v17 =	vld.idx.msk [tilespmem:v20+s4+$0x0], $0xffff  }
0x1cb: {  	[tilespmem:s1+$0x2400] =	vst v12;
	v18 =	vld.idx.msk [tilespmem:v21+s4+$0x0], $0xffff  }
0x1cc: {  	[tilespmem:s1+$0x2800] =	vst v10;
	v10 =	vld.idx.msk [tilespmem:v23+s4+$0x0], $0xffff  }
.Ltmp6:
0x1cd: {  	[tilespmem:s1+$0x2C00] =	vst v14;
	v11 =	vld.idx.msk [tilespmem:v24+s4+$0x0], $0xffff;
	(pc) =	sbr.rel @p0 .LBB2_13-.Ltmp6, $4  }
0x1ce: {  	[tilespmem:s1+$0x3000] =	vst v15;
	v12 =	vld.idx.msk [tilespmem:v25+s4+$0x0], $0xffff  }
0x1cf: {  	[tilespmem:s1+$0x3400] =	vst v16;
	v13 =	vld.idx.msk [tilespmem:v28+s4+$0x0], $0xffff  }
0x1d0: {  	s7 =	sadd.s32 $0x10, s7;
	[tilespmem:s1+$0x3800] =	vst v17;
	v14 =	vld.idx.msk [tilespmem:v29+s4+$0x0], $0xffff  }
0x1d1: {  	s8 =	sadd.s32 $0x10, s8;
	v15 =	vld [tilespmem:s7+$0x0];
	[tilespmem:s1+$0x3C00] =	vst v18  }
0x1d2: {  	_ =	sdelay $0x3  }
0x1d3: {  	[tilespmem:s1+$0x4000] =	vst v10;
	v8 =	vld.idx.msk [tilespmem:v8+s4+$0x0], $0xffff  }
0x1d4: {  	[tilespmem:s1+$0x4400] =	vst v11;
	v9 =	vld.idx.msk [tilespmem:v9+s4+$0x0], $0xffff  }
0x1d5: {  	v7 =	vld.idx.msk [tilespmem:v7+s4+$0x0], $0xffff;
	[tilespmem:s1+$0x4800] =	vst v12  }
0x1d6: {  	v4 =	vld.idx.msk [tilespmem:v4+s4+$0x0], $0xffff;
	[tilespmem:s1+$0x4C00] =	vst v13  }
0x1d7: {  	v6 =	vld.idx.msk [tilespmem:v6+s4+$0x0], $0xffff;
	[tilespmem:s1+$0x5000] =	vst v14;
	v10 =	vmul.u32 $0x32, v15  }
0x1d8: {  	v5 =	vld.idx.msk [tilespmem:v5+s4+$0x0], $0xffff;
	[tilespmem:s1+$0x5400] =	vst v8  }
0x1d9: {  	v2 =	vld.idx.msk [tilespmem:v2+s4+$0x0], $0xffff;
	[tilespmem:s1+$0x5800] =	vst v9;
	v8 =	vadd.s32 $0x18, v10  }
0x1da: {  	v3 =	vld.idx.msk [tilespmem:v3+s4+$0x0], $0xffff;
	[tilespmem:s1+$0x5C00] =	vst v7;
	v9 =	vor.u32 $0x1, v10  }
0x1db: {  	v1 =	vld.idx.msk [tilespmem:v1+s4+$0x0], $0xffff;
	[tilespmem:s1+$0x6000] =	vst v4;
	v7 =	vadd.s32 $0x2, v10  }
0x1dc: {  	v0 =	vld.idx.msk [tilespmem:v0+s4+$0x0], $0xffff;
	[tilespmem:s1+$0x6400] =	vst v6;
	v4 =	vadd.s32 $0x3, v10  }
0x1dd: {  	[tilespmem:s1+$0x6800] =	vst v5;
	v6 =	vadd.s32 $0x4, v10;
	v11 =	vld.idx.msk [tilespmem:v10+s4+$0x0], $0xffff  }
0x1de: {  	[tilespmem:s1+$0x6C00] =	vst v2;
	v5 =	vadd.s32 $0x5, v10;
	v8 =	vld.idx.msk [tilespmem:v8+s4+$0x0], $0xffff  }
0x1df: {  	[tilespmem:s1+$0x7000] =	vst v3;
	v2 =	vadd.s32 $0x6, v10;
	v9 =	vld.idx.msk [tilespmem:v9+s4+$0x0], $0xffff  }
0x1e0: {  	[tilespmem:s1+$0x7400] =	vst v1;
	v3 =	vadd.s32 $0x7, v10;
	v7 =	vld.idx.msk [tilespmem:v7+s4+$0x0], $0xffff  }
0x1e1: {  	s0 =	sadd.s32 $0x10, s0;
	[tilespmem:s1+$0x7800] =	vst v0;
	v1 =	vadd.s32 $0x8, v10;
	v4 =	vld.idx.msk [tilespmem:v4+s4+$0x0], $0xffff  }
0x1e2: {  	s13 =	sand.u32 $0x3F0, s6;
	v0 =	vadd.s32 $0x9, v10;
	v6 =	vld.idx.msk [tilespmem:v6+s4+$0x0], $0xffff;
	[tilespmem:s0+$0x0] =	vst v11  }
0x1e3: {  	v5 =	vld.idx.msk [tilespmem:v5+s4+$0x0], $0xffff;
	v11 =	vadd.s32 $0xA, v10;
	[tilespmem:s13+$0x7C00] =	vst v8  }
0x1e4: {  	v2 =	vld.idx.msk [tilespmem:v2+s4+$0x0], $0xffff;
	v8 =	vadd.s32 $0xB, v10;
	[tilespmem:s13+$0x2000] =	vst v9  }
0x1e5: {  	v3 =	vld.idx.msk [tilespmem:v3+s4+$0x0], $0xffff;
	v9 =	vadd.s32 $0xC, v10;
	[tilespmem:s13+$0x2400] =	vst v7  }
0x1e6: {  	v1 =	vld.idx.msk [tilespmem:v1+s4+$0x0], $0xffff;
	v7 =	vadd.s32 $0xD, v10;
	[tilespmem:s13+$0x2800] =	vst v4  }
0x1e7: {  	v0 =	vld.idx.msk [tilespmem:v0+s4+$0x0], $0xffff;
	v4 =	vadd.s32 $0xE, v10;
	[tilespmem:s13+$0x2C00] =	vst v6  }
0x1e8: {  	v6 =	vadd.s32 $0xF, v10;
	[tilespmem:s13+$0x3000] =	vst v5;
	v11 =	vld.idx.msk [tilespmem:v11+s4+$0x0], $0xffff  }
0x1e9: {  	v5 =	vadd.s32 $0x10, v10;
	[tilespmem:s13+$0x3400] =	vst v2;
	v8 =	vld.idx.msk [tilespmem:v8+s4+$0x0], $0xffff  }
0x1ea: {  	v2 =	vadd.s32 $0x11, v10;
	[tilespmem:s13+$0x3800] =	vst v3;
	v9 =	vld.idx.msk [tilespmem:v9+s4+$0x0], $0xffff  }
0x1eb: {  	v3 =	vadd.s32 $0x12, v10;
	[tilespmem:s13+$0x3C00] =	vst v1;
	v7 =	vld.idx.msk [tilespmem:v7+s4+$0x0], $0xffff  }
0x1ec: {  	v1 =	vadd.s32 $0x13, v10;
	[tilespmem:s13+$0x4000] =	vst v0;
	v0 =	vld.idx.msk [tilespmem:v4+s4+$0x0], $0xffff  }
0x1ed: {  	v4 =	vadd.s32 $0x14, v10;
	v6 =	vld.idx.msk [tilespmem:v6+s4+$0x0], $0xffff;
	[tilespmem:s13+$0x4400] =	vst v11  }
0x1ee: {  	v5 =	vld.idx.msk [tilespmem:v5+s4+$0x0], $0xffff;
	v11 =	vadd.s32 $0x15, v10;
	[tilespmem:s13+$0x4800] =	vst v8  }
0x1ef: {  	v2 =	vld.idx.msk [tilespmem:v2+s4+$0x0], $0xffff;
	v8 =	vadd.s32 $0x16, v10;
	[tilespmem:s13+$0x4C00] =	vst v9  }
0x1f0: {  	v3 =	vld.idx.msk [tilespmem:v3+s4+$0x0], $0xffff;
	v9 =	vadd.s32 $0x17, v10;
	[tilespmem:s13+$0x5000] =	vst v7  }
0x1f1: {  	v1 =	vld.idx.msk [tilespmem:v1+s4+$0x0], $0xffff;
	[tilespmem:s13+$0x5400] =	vst v0  }
0x1f2: {  	v0 =	vld.idx.msk [tilespmem:v4+s4+$0x0], $0xffff;
	[tilespmem:s13+$0x5800] =	vst v6  }
0x1f3: {  	[tilespmem:s13+$0x5C00] =	vst v5;
	v4 =	vld.idx.msk [tilespmem:v11+s4+$0x0], $0xffff  }
0x1f4: {  	[tilespmem:s13+$0x6000] =	vst v2;
	v5 =	vld.idx.msk [tilespmem:v8+s4+$0x0], $0xffff  }
0x1f5: {  	[tilespmem:s13+$0x6400] =	vst v3;
	v2 =	vld.idx.msk [tilespmem:v9+s4+$0x0], $0xffff  }
0x1f6: {  	[tilespmem:s13+$0x6800] =	vst v1  }
0x1f7: {  	[tilespmem:s13+$0x6C00] =	vst v0  }
0x1f8: {  	[tilespmem:s13+$0x7000] =	vst v4  }
0x1f9: {  	[tilespmem:s13+$0x7400] =	vst v5  }
0x1fa: {  	[tilespmem:s13+$0x7800] =	vst v2  }
0x1fb: {  	s0 =	rddreg [dreg:$0x7]  }
0x1fc: {  	[hbm4b:s0+s19] =	stream.strided.scatter [tilespmem:s21], [sflag:$0x1], $0x6400, s20, s19, $0x38;
	[tilespmem:$0x1AC00] =	vst v63  }
0x1fd: {  	_ =	swait.ge [sflag:s28], $0x6400  }
0x1fe: {  	[sflag:s28] =	ssyncset.done $0x0  }
0x1ff: {  	s14 =	simm.s32 $0x1400;
	[sflag:s28] =	ssyncadd.s32 $0xFFFF9C00  }
0x200: {  	v0 =	vld [tilespmem:s14+$0x0];
	_ =	sdelay $0x4  }
0x201: {  	v0 =	vmul.u32 $0x32, v0;
	_ =	sdelay $0x1  }
0x202: {  	v1 =	vadd.s32 $0x31, v0  }
0x203: {  	v2 =	vadd.s32 $0x19, v0  }
0x204: {  	v3 =	vadd.s32 $0x1A, v0  }
0x205: {  	s7 =	simm.s32 $0x1410;
	v4 =	vadd.s32 $0x1B, v0  }
0x206: {  	v16 =	vld [tilespmem:s7+$0x0];
	v5 =	vadd.s32 $0x1C, v0  }
0x207: {  	v6 =	vadd.s32 $0x1D, v0;
	v1 =	vld.idx.msk [tilespmem:v1+s4+$0x0], $0xffff  }
0x208: {  	v7 =	vadd.s32 $0x1E, v0;
	v2 =	vld.idx.msk [tilespmem:v2+s4+$0x0], $0xffff  }
0x209: {  	v9 =	vadd.s32 $0x20, v0;
	v3 =	vld.idx.msk [tilespmem:v3+s4+$0x0], $0xffff  }
0x20a: {  	s15 =	simm.s32 $0x0;
	v8 =	vadd.s32 $0x1F, v0;
	v4 =	vld.idx.msk [tilespmem:v4+s4+$0x0], $0xffff  }
0x20b: {  	s1 =	sand.u32 $0x3F0, s15;
	v10 =	vadd.s32 $0x21, v0;
	v5 =	vld.idx.msk [tilespmem:v5+s4+$0x0], $0xffff  }
0x20c: {  	s0 =	simm.s32 $0xE400;
	v12 =	vadd.s32 $0x22, v0;
	v6 =	vld.idx.msk [tilespmem:v6+s4+$0x0], $0xffff;
	[tilespmem:s1+$0x14400] =	vst v1  }
0x20d: {  	v13 =	vadd.s32 $0x23, v0;
	v7 =	vld.idx.msk [tilespmem:v7+s4+$0x0], $0xffff;
	[tilespmem:s0+$0x0] =	vst v2  }
0x20e: {  	v17 =	vld.idx.msk [tilespmem:v9+s4+$0x0], $0xffff;
	v1 =	vadd.s32 $0x24, v0;
	[tilespmem:s1+$0xE800] =	vst v3  }
0x20f: {  	v15 =	vadd.s32 $0x25, v0;
	v2 =	vld.idx.msk [tilespmem:v8+s4+$0x0], $0xffff;
	[tilespmem:s1+$0xEC00] =	vst v4  }
0x210: {  	v11 =	vld.idx.msk [tilespmem:v10+s4+$0x0], $0xffff;
	v9 =	vadd.s32 $0x26, v0;
	[tilespmem:s1+$0xF000] =	vst v5  }
0x211: {  	v12 =	vld.idx.msk [tilespmem:v12+s4+$0x0], $0xffff;
	v10 =	vadd.s32 $0x27, v0;
	[tilespmem:s1+$0xF400] =	vst v6  }
0x212: {  	v13 =	vld.idx.msk [tilespmem:v13+s4+$0x0], $0xffff;
	v8 =	vadd.s32 $0x28, v0;
	v6 =	vadd.s32 $0x29, v0;
	v5 =	vadd.s32 $0x2A, v0;
	[tilespmem:s1+$0xF800] =	vst v7  }
0x213: {  	v7 =	vadd.s32 $0x2B, v0;
	v4 =	vadd.s32 $0x2C, v0;
	v3 =	vadd.s32 $0x2D, v0;
	[tilespmem:s1+$0x10000] =	vst v17;
	v14 =	vld.idx.msk [tilespmem:v1+s4+$0x0], $0xffff  }
0x214: {  	s6 =	simm.s32 $0x10;
	s8 =	simm.s32 $0x20;
	v15 =	vld.idx.msk [tilespmem:v15+s4+$0x0], $0xffff;
	[tilespmem:s1+$0xFC00] =	vst v2;
	v2 =	vadd.s32 $0x2E, v0;
	v1 =	vadd.s32 $0x2F, v0;
	v0 =	vadd.s32 $0x30, v0  }
.LBB2_15:
0x215: {  	p0 =	sne.s32 s8, $0x3F0;
	[tilespmem:s1+$0x10400] =	vst v11;
	v9 =	vld.idx.msk [tilespmem:v9+s4+$0x0], $0xffff  }
0x216: {  	[tilespmem:s1+$0x10800] =	vst v12;
	v10 =	vld.idx.msk [tilespmem:v10+s4+$0x0], $0xffff  }
0x217: {  	[tilespmem:s1+$0x10C00] =	vst v13;
	v8 =	vld.idx.msk [tilespmem:v8+s4+$0x0], $0xffff  }
0x218: {  	[tilespmem:s1+$0x11000] =	vst v14;
	v6 =	vld.idx.msk [tilespmem:v6+s4+$0x0], $0xffff  }
0x219: {  	v11 =	vmul.u32 $0x32, v16;
	[tilespmem:s1+$0x11400] =	vst v15;
	v5 =	vld.idx.msk [tilespmem:v5+s4+$0x0], $0xffff  }
0x21a: {  	v7 =	vld.idx.msk [tilespmem:v7+s4+$0x0], $0xffff  }
0x21b: {  	v12 =	vadd.s32 $0x19, v11;
	v13 =	vadd.s32 $0x1A, v11;
	v14 =	vadd.s32 $0x31, v11;
	[tilespmem:s1+$0x11800] =	vst v9;
	v15 =	vld.idx.msk [tilespmem:v4+s4+$0x0], $0xffff  }
0x21c: {  	v16 =	vadd.s32 $0x1B, v11;
	v17 =	vadd.s32 $0x1C, v11;
	v18 =	vadd.s32 $0x1D, v11;
	[tilespmem:s1+$0x11C00] =	vst v10;
	v19 =	vld.idx.msk [tilespmem:v3+s4+$0x0], $0xffff  }
0x21d: {  	v20 =	vadd.s32 $0x1E, v11;
	v21 =	vadd.s32 $0x1F, v11;
	v22 =	vadd.s32 $0x20, v11;
	[tilespmem:s1+$0x12000] =	vst v8;
	v23 =	vld.idx.msk [tilespmem:v2+s4+$0x0], $0xffff  }
0x21e: {  	v24 =	vadd.s32 $0x21, v11;
	v25 =	vadd.s32 $0x22, v11;
	v26 =	vadd.s32 $0x23, v11;
	[tilespmem:s1+$0x12400] =	vst v6;
	v27 =	vld.idx.msk [tilespmem:v1+s4+$0x0], $0xffff  }
0x21f: {  	v28 =	vadd.s32 $0x24, v11;
	v29 =	vadd.s32 $0x25, v11;
	v9 =	vadd.s32 $0x26, v11;
	[tilespmem:s1+$0x12800] =	vst v5;
	v30 =	vld.idx.msk [tilespmem:v0+s4+$0x0], $0xffff  }
0x220: {  	v10 =	vadd.s32 $0x27, v11;
	v8 =	vadd.s32 $0x28, v11;
	v6 =	vadd.s32 $0x29, v11;
	v14 =	vld.idx.msk [tilespmem:v14+s4+$0x0], $0xffff;
	[tilespmem:s1+$0x12C00] =	vst v7  }
0x221: {  	v4 =	vadd.s32 $0x2C, v11;
	v5 =	vadd.s32 $0x2A, v11;
	v7 =	vadd.s32 $0x2B, v11;
	v12 =	vld.idx.msk [tilespmem:v12+s4+$0x0], $0xffff;
	[tilespmem:s1+$0x13000] =	vst v15  }
0x222: {  	v3 =	vadd.s32 $0x2D, v11;
	v2 =	vadd.s32 $0x2E, v11;
	v1 =	vadd.s32 $0x2F, v11;
	v13 =	vld.idx.msk [tilespmem:v13+s4+$0x0], $0xffff;
	[tilespmem:s1+$0x13400] =	vst v19  }
0x223: {  	v0 =	vadd.s32 $0x30, v11;
	v15 =	vld.idx.msk [tilespmem:v16+s4+$0x0], $0xffff;
	[tilespmem:s1+$0x13800] =	vst v23  }
0x224: {  	v16 =	vld.idx.msk [tilespmem:v17+s4+$0x0], $0xffff;
	[tilespmem:s1+$0x13C00] =	vst v27  }
0x225: {  	v17 =	vld.idx.msk [tilespmem:v18+s4+$0x0], $0xffff;
	[tilespmem:s1+$0x14000] =	vst v30;
	s1 =	sand.u32 $0x3F0, s6;
	s6 =	smov.u32 s8  }
0x226: {  	s0 =	sadd.s32 $0x10, s0;
	v18 =	vld.idx.msk [tilespmem:v20+s4+$0x0], $0xffff;
	[tilespmem:s1+$0x14400] =	vst v14  }
0x227: {  	[tilespmem:s0+$0x0] =	vst v12;
	v19 =	vld.idx.msk [tilespmem:v21+s4+$0x0], $0xffff  }
0x228: {  	[tilespmem:s1+$0xE800] =	vst v13;
	v20 =	vld.idx.msk [tilespmem:v22+s4+$0x0], $0xffff  }
0x229: {  	[tilespmem:s1+$0xEC00] =	vst v15;
	v11 =	vld.idx.msk [tilespmem:v24+s4+$0x0], $0xffff  }
.Ltmp7:
0x22a: {  	[tilespmem:s1+$0xF000] =	vst v16;
	v12 =	vld.idx.msk [tilespmem:v25+s4+$0x0], $0xffff;
	(pc) =	sbr.rel @p0 .LBB2_15-.Ltmp7, $4  }
0x22b: {  	[tilespmem:s1+$0xF400] =	vst v17;
	v13 =	vld.idx.msk [tilespmem:v26+s4+$0x0], $0xffff  }
0x22c: {  	[tilespmem:s1+$0xF800] =	vst v18;
	v14 =	vld.idx.msk [tilespmem:v28+s4+$0x0], $0xffff  }
0x22d: {  	s7 =	sadd.s32 $0x10, s7;
	[tilespmem:s1+$0xFC00] =	vst v19;
	v15 =	vld.idx.msk [tilespmem:v29+s4+$0x0], $0xffff  }
0x22e: {  	s8 =	sadd.s32 $0x10, s8;
	v16 =	vld [tilespmem:s7+$0x0];
	[tilespmem:s1+$0x10000] =	vst v20  }
0x22f: {  	_ =	sdelay $0x3  }
0x230: {  	[tilespmem:s1+$0x10400] =	vst v11;
	v9 =	vld.idx.msk [tilespmem:v9+s4+$0x0], $0xffff  }
0x231: {  	[tilespmem:s1+$0x10800] =	vst v12;
	v10 =	vld.idx.msk [tilespmem:v10+s4+$0x0], $0xffff  }
0x232: {  	v8 =	vld.idx.msk [tilespmem:v8+s4+$0x0], $0xffff;
	[tilespmem:s1+$0x10C00] =	vst v13  }
0x233: {  	v6 =	vld.idx.msk [tilespmem:v6+s4+$0x0], $0xffff;
	[tilespmem:s1+$0x11000] =	vst v14  }
0x234: {  	v5 =	vld.idx.msk [tilespmem:v5+s4+$0x0], $0xffff;
	[tilespmem:s1+$0x11400] =	vst v15;
	v31 =	vmul.u32 $0x32, v16  }
0x235: {  	v7 =	vld.idx.msk [tilespmem:v7+s4+$0x0], $0xffff;
	[tilespmem:s1+$0x11800] =	vst v9  }
0x236: {  	v4 =	vld.idx.msk [tilespmem:v4+s4+$0x0], $0xffff;
	[tilespmem:s1+$0x11C00] =	vst v10;
	v32 =	vadd.s32 $0x31, v31  }
0x237: {  	v3 =	vld.idx.msk [tilespmem:v3+s4+$0x0], $0xffff;
	[tilespmem:s1+$0x12000] =	vst v8;
	v33 =	vadd.s32 $0x19, v31  }
0x238: {  	v2 =	vld.idx.msk [tilespmem:v2+s4+$0x0], $0xffff;
	[tilespmem:s1+$0x12400] =	vst v6;
	v34 =	vadd.s32 $0x1A, v31  }
0x239: {  	v1 =	vld.idx.msk [tilespmem:v1+s4+$0x0], $0xffff;
	[tilespmem:s1+$0x12800] =	vst v5;
	v35 =	vadd.s32 $0x1B, v31  }
0x23a: {  	v0 =	vld.idx.msk [tilespmem:v0+s4+$0x0], $0xffff;
	[tilespmem:s1+$0x12C00] =	vst v7;
	v36 =	vadd.s32 $0x1C, v31  }
0x23b: {  	[tilespmem:s1+$0x13000] =	vst v4;
	v37 =	vadd.s32 $0x1D, v31;
	v9 =	vld.idx.msk [tilespmem:v32+s4+$0x0], $0xffff  }
0x23c: {  	[tilespmem:s1+$0x13400] =	vst v3;
	v38 =	vadd.s32 $0x1E, v31;
	v10 =	vld.idx.msk [tilespmem:v33+s4+$0x0], $0xffff  }
0x23d: {  	[tilespmem:s1+$0x13800] =	vst v2;
	v39 =	vadd.s32 $0x1F, v31;
	v8 =	vld.idx.msk [tilespmem:v34+s4+$0x0], $0xffff  }
0x23e: {  	[tilespmem:s1+$0x13C00] =	vst v1;
	v40 =	vadd.s32 $0x20, v31;
	v6 =	vld.idx.msk [tilespmem:v35+s4+$0x0], $0xffff  }
0x23f: {  	s6 =	sand.u32 $0x3F0, s6;
	[tilespmem:s1+$0x14000] =	vst v0;
	v41 =	vadd.s32 $0x21, v31;
	v5 =	vld.idx.msk [tilespmem:v36+s4+$0x0], $0xffff  }
0x240: {  	s0 =	sadd.s32 $0x10, s0;
	v42 =	vadd.s32 $0x22, v31;
	v7 =	vld.idx.msk [tilespmem:v37+s4+$0x0], $0xffff;
	[tilespmem:s6+$0x14400] =	vst v9  }
0x241: {  	v46 =	vadd.s32 $0x26, v31;
	v4 =	vld.idx.msk [tilespmem:v38+s4+$0x0], $0xffff;
	[tilespmem:s0+$0x0] =	vst v10  }
0x242: {  	v47 =	vadd.s32 $0x27, v31;
	v3 =	vld.idx.msk [tilespmem:v39+s4+$0x0], $0xffff;
	[tilespmem:s6+$0xE800] =	vst v8  }
0x243: {  	v53 =	vadd.s32 $0x2C, v31;
	v2 =	vld.idx.msk [tilespmem:v40+s4+$0x0], $0xffff;
	[tilespmem:s6+$0xEC00] =	vst v6  }
0x244: {  	v55 =	vadd.s32 $0x2D, v31;
	v1 =	vld.idx.msk [tilespmem:v41+s4+$0x0], $0xffff;
	[tilespmem:s6+$0xF000] =	vst v5  }
0x245: {  	v56 =	vadd.s32 $0x2E, v31;
	v0 =	vld.idx.msk [tilespmem:v42+s4+$0x0], $0xffff;
	[tilespmem:s6+$0xF400] =	vst v7  }
0x246: {  	v57 =	vadd.s32 $0x2F, v31;
	v52 =	vld.idx.msk [tilespmem:v46+s4+$0x0], $0xffff;
	[tilespmem:s6+$0xF800] =	vst v4  }
0x247: {  	v58 =	vadd.s32 $0x30, v31;
	v54 =	vld.idx.msk [tilespmem:v47+s4+$0x0], $0xffff;
	[tilespmem:s6+$0xFC00] =	vst v3  }
0x248: {  	v43 =	vadd.s32 $0x23, v31;
	v59 =	vld.idx.msk [tilespmem:v53+s4+$0x0], $0xffff;
	[tilespmem:s6+$0x10000] =	vst v2  }
0x249: {  	v44 =	vadd.s32 $0x24, v31;
	v60 =	vld.idx.msk [tilespmem:v55+s4+$0x0], $0xffff;
	[tilespmem:s6+$0x10400] =	vst v1  }
0x24a: {  	v45 =	vadd.s32 $0x25, v31;
	v61 =	vld.idx.msk [tilespmem:v56+s4+$0x0], $0xffff;
	[tilespmem:s6+$0x10800] =	vst v0  }
0x24b: {  	v48 =	vadd.s32 $0x28, v31;
	v62 =	vld.idx.msk [tilespmem:v57+s4+$0x0], $0xffff;
	[tilespmem:s6+$0x11800] =	vst v52  }
0x24c: {  	v49 =	vadd.s32 $0x29, v31;
	v63 =	vld.idx.msk [tilespmem:v58+s4+$0x0], $0xffff;
	[tilespmem:s6+$0x11C00] =	vst v54  }
0x24d: {  	v50 =	vadd.s32 $0x2A, v31;
	v9 =	vld.idx.msk [tilespmem:v43+s4+$0x0], $0xffff;
	[tilespmem:s6+$0x13000] =	vst v59  }
0x24e: {  	v51 =	vadd.s32 $0x2B, v31;
	v10 =	vld.idx.msk [tilespmem:v44+s4+$0x0], $0xffff;
	[tilespmem:s6+$0x13400] =	vst v60  }
0x24f: {  	v8 =	vld.idx.msk [tilespmem:v45+s4+$0x0], $0xffff;
	[tilespmem:s6+$0x13800] =	vst v61  }
0x250: {  	v7 =	vld.idx.msk [tilespmem:v48+s4+$0x0], $0xffff;
	[tilespmem:s6+$0x13C00] =	vst v62  }
0x251: {  	v4 =	vld.idx.msk [tilespmem:v49+s4+$0x0], $0xffff;
	[tilespmem:s6+$0x14000] =	vst v63  }
0x252: {  	v3 =	vld.idx.msk [tilespmem:v50+s4+$0x0], $0xffff;
	[tilespmem:s6+$0x10C00] =	vst v9  }
0x253: {  	v2 =	vld.idx.msk [tilespmem:v51+s4+$0x0], $0xffff;
	[tilespmem:s6+$0x11000] =	vst v10  }
0x254: {  	[tilespmem:s6+$0x11400] =	vst v8  }
0x255: {  	[tilespmem:s6+$0x12000] =	vst v7  }
0x256: {  	[tilespmem:s6+$0x12400] =	vst v4  }
0x257: {  	[tilespmem:s6+$0x12800] =	vst v3  }
0x258: {  	[tilespmem:s6+$0x12C00] =	vst v2  }
0x259: {  	s0 =	rddreg [dreg:$0x8]  }
0x25a: {  	[hbm4b:s0+s19] =	stream.strided.scatter [tilespmem:s22], [sflag:$0x3], $0x6400, s20, s19, $0x38;
	[tilespmem:$0x1AC00] =	vst v63  }
0x25b: {  	_ =	swait.ge [sflag:s29], $0x6400  }
0x25c: {  	[sflag:s29] =	ssyncset.done $0x0  }
0x25d: {  	[sflag:s29] =	ssyncadd.s32 $0xFFFF9C00  }
0x25e: {  	_ =	swait.ge [sflag:s26], $0x6400  }
0x25f: {  	[sflag:s26] =	ssyncset.done $0x0  }
0x260: {  	[sflag:s26] =	ssyncadd.s32 $0xFFFF9C00  }
0x261: {  	_ =	swait.ge [sflag:s30], $0x6400  }
0x262: {  	[sflag:s30] =	ssyncset.done $0x0  }
0x263: {  	[sflag:s30] =	ssyncadd.s32 $0xFFFF9C00  }
0x264: {  	_ =	swait.ge [sflag:s28], $0x6400  }
0x265: {  	s31 =	sadd.s32 $0x1, s31;
	s15 =	rddreg [dreg:$0x9]  }
0x266: {  	p0 =	sne.s32 s31, s15  }
.Ltmp8:
0x267: {  	_ = 	snop;
	(pc) =	sbr.rel @p0 .LBB2_1-.Ltmp8, $3  }
0x268: {  	_ =	sdelay $0x1  }
0x269: {  	[sflag:s28] =	ssyncset.done $0x0  }
0x26a: {  	[sflag:s28] =	ssyncadd.s32 $0xFFFF9C00  }
0x26b: {  	_ =	sfence.sel $0x180000  }
0x26c: {  	[bflag:$0x0] =	sbarrier.arrive $0xFFFF  }
0x26d: {  	_ =	strace $0x90000047  }
0x26e: {  	s0 =	stileid.u32;
	[bflag:$0x2] =	sbarrier.arrive $0xFFFF  }
0x26f: {  	p0 =	sne.s32 s0, $0x0;
	s0 =	rddreg [dreg:$0x3]  }
0x270: {  	s0 =	sadd.s32 @!p0 $0x100000, s0  }
0x271: {  	[sflag:s0] =	ssyncadd.tile.s32 @!p0 $0x1;
	_ =	shalt  }
.Lfunc_end2:
_tile_overlayer_lowered:
.L_overlay_start_2:
0x272: {  	(tag) =	ssettag $0x2  }
0x273: {  	s0 =	rddreg [dreg:$0x0];
	s2 =	stileid.u32  }
0x274: {  	s1 =	rddreg [dreg:$0x1];
	p0 =	sne.s32 s2, $0x0  }
0x275: {  	s3 =	rddreg [dreg:$0x2];
	[bflag:$0x3] =	sbarrier.arrive $0xFFFF;
	s2 =	simm.s32 @!p0 $0x1C07  }
0x276: {  	[timem:s3], [sflag:s2] =	dma.local @!p0 [hbm:s0], s1  }
0x277: {  	s0 =	simm.s32 @!p0 $0x7  }
0x278: {  	_ =	swait.ge @!p0 [sflag:s0], s1  }
0x279: {  	s1 =	ssub.s32 @!p0 $0x0, s1;
	[sflag:s0] =	ssyncset.done @!p0 $0x0  }
0x27a: {  	[sflag:s0] =	ssyncadd.s32 @!p0 s1  }
0x27b: {  	[bflag:$0x3] =	sbarrier.arrive $0xFFFF  }
0x27c: {  	_ =	shalt  }

</sc_bundles>
